<compile_context>
chip_gen: v7x
topology: tpu7x:2x2x1
jax: 0.10.2.dev20260603
libtpu: 0.0.44.dev20260713+nightly
codegen_flags: <defaults>
</compile_context>

<pallas_src>
import functools

import jax
import jax.numpy as jnp
from jax import lax
from jax.experimental import pallas as pl
from jax.experimental.pallas import tpu as pltpu
from jax.experimental.pallas import tpu_sc as plsc

N = 10000
E = 160000
NODE_IN = 128
EDGE_IN = 4
H = 16

NC = 2
NS = 16
NW = NC * NS
CH = 128
CPW = 40
EPW = CPW * CH
E_PAD = NW * EPW
NSH = N + 240
RPT = NSH // NS

_sc_params = pltpu.CompilerParams(use_tc_tiling_on_sc=False)


@functools.lru_cache(maxsize=1)
def _mesh():
    return plsc.VectorSubcoreMesh(core_axis_name="c", subcore_axis_name="s",
                                  num_cores=NC, num_subcores=NS)


def _wid():
    return lax.axis_index("s") * NC + lax.axis_index("c")


@functools.lru_cache(maxsize=None)
def _make_gather(D):
    @functools.partial(
        pl.kernel,
        out_type=jax.ShapeDtypeStruct((E_PAD, D), jnp.float32),
        mesh=_mesh(),
        compiler_params=_sc_params,
        scratch_types=[
            pltpu.VMEM((CPW, CH), jnp.int32),
            pltpu.VMEM((CH, D), jnp.float32),
            pltpu.SemaphoreType.DMA,
        ],
    )
    def gather(table_hbm, idx_hbm, out_hbm, idx_v, rows_v, sem):
        w = _wid()
        pltpu.sync_copy(idx_hbm.at[pl.ds(w * CPW, CPW)], idx_v)

        def body(j, carry):
            pltpu.async_copy(table_hbm.at[idx_v.at[j]], rows_v, sem).wait()
            pltpu.sync_copy(rows_v, out_hbm.at[pl.ds(w * EPW + j * CH, CH)])
            return carry

        lax.fori_loop(0, CPW, body, 0)

    return gather





@functools.lru_cache(maxsize=None)
def _make_scatter(with_cnt):
    outs = [jax.ShapeDtypeStruct((NC, NSH, H), jnp.float32)]
    scratch = [
        pltpu.VMEM((CPW, CH), jnp.int32),
        pltpu.VMEM((EPW, H), jnp.float32),
        pltpu.VMEM_SHARED((NSH, H), jnp.float32),
    ]
    if with_cnt:
        outs.append(jax.ShapeDtypeStruct((NC, NSH, H), jnp.float32))
        scratch += [
            pltpu.VMEM((CH, H), jnp.float32),
            pltpu.VMEM_SHARED((NSH, H), jnp.float32),
        ]

    if with_cnt:
        @functools.partial(pl.kernel, out_type=tuple(outs), mesh=_mesh(),
                           compiler_params=_sc_params, scratch_types=scratch)
        def scatter(msg_hbm, dst_hbm, zeros_hbm, ones_hbm, agg_out, cnt_out,
                    dst_v, msg_v, agg_sh, ones_v, cnt_sh):
            cid = lax.axis_index("c")
            sid = lax.axis_index("s")
            w = sid * NC + cid
            pltpu.sync_copy(zeros_hbm, agg_sh.at[pl.ds(sid * RPT, RPT)])
            pltpu.sync_copy(zeros_hbm, cnt_sh.at[pl.ds(sid * RPT, RPT)])
            pltpu.sync_copy(ones_hbm, ones_v)
            pltpu.sync_copy(dst_hbm.at[pl.ds(w * CPW, CPW)], dst_v)
            pltpu.sync_copy(msg_hbm.at[pl.ds(w * EPW, EPW)], msg_v)
            plsc.subcore_barrier()

            def body(j, carry):
                pltpu.sync_copy(msg_v.at[pl.ds(j * CH, CH)],
                                agg_sh.at[dst_v.at[j]], add=True)
                pltpu.sync_copy(ones_v, cnt_sh.at[dst_v.at[j]], add=True)
                return carry

            lax.fori_loop(0, CPW, body, 0)
            plsc.subcore_barrier()
            pltpu.sync_copy(agg_sh.at[pl.ds(sid * RPT, RPT)],
                            agg_out.at[cid, pl.ds(sid * RPT, RPT)])
            pltpu.sync_copy(cnt_sh.at[pl.ds(sid * RPT, RPT)],
                            cnt_out.at[cid, pl.ds(sid * RPT, RPT)])
    else:
        @functools.partial(pl.kernel, out_type=outs[0], mesh=_mesh(),
                           compiler_params=_sc_params, scratch_types=scratch)
        def scatter(msg_hbm, dst_hbm, zeros_hbm, agg_out,
                    dst_v, msg_v, agg_sh):
            cid = lax.axis_index("c")
            sid = lax.axis_index("s")
            w = sid * NC + cid
            pltpu.sync_copy(zeros_hbm, agg_sh.at[pl.ds(sid * RPT, RPT)])
            pltpu.sync_copy(dst_hbm.at[pl.ds(w * CPW, CPW)], dst_v)
            pltpu.sync_copy(msg_hbm.at[pl.ds(w * EPW, EPW)], msg_v)
            plsc.subcore_barrier()

            def body(j, carry):
                pltpu.sync_copy(msg_v.at[pl.ds(j * CH, CH)],
                                agg_sh.at[dst_v.at[j]], add=True)
                return carry

            lax.fori_loop(0, CPW, body, 0)
            plsc.subcore_barrier()
            pltpu.sync_copy(agg_sh.at[pl.ds(sid * RPT, RPT)],
                            agg_out.at[cid, pl.ds(sid * RPT, RPT)])

    return scatter





BE1 = 640
BE2 = 3200



def _hilo(v):
    hi = jax.lax.bitcast_convert_type(
        jax.lax.bitcast_convert_type(v, jnp.uint32) & jnp.uint32(0xFFFF0000),
        jnp.float32)
    return hi, v - hi


def _seldot(a, sel):
    ah, al = _hilo(a)
    return (jnp.dot(ah, sel, preferred_element_type=jnp.float32)
            + jnp.dot(al, sel, preferred_element_type=jnp.float32))

def _msg_body(in_dim, be, lowp, attr_ref, xs_ref, Ap_ref, bp_ref, tile_ref,
              sel_ref, out_ref):
    sub = be // 8
    w = jnp.dot(attr_ref[...], Ap_ref[...],
                preferred_element_type=jnp.float32) + bp_ref[...]
    w = jnp.maximum(w, 0.0)
    if in_dim >= 128:
        xs = xs_ref[...].astype(jnp.bfloat16).astype(jnp.float32)
        xs_t = jnp.concatenate([xs] * H, axis=1)
    else:
        xw = xs_ref[...]
        xs = jnp.concatenate(
            [xw[:, k * in_dim:(k + 1) * in_dim] for k in range(8)], axis=0)
        xs_t = jnp.dot(xs, tile_ref[...], preferred_element_type=jnp.float32)
    prod = w.astype(jnp.bfloat16).astype(jnp.float32) * xs_t
    msg = _seldot(prod, sel_ref[...])
    out_ref[...] = jnp.concatenate(
        [msg[k * sub:(k + 1) * sub, :] for k in range(8)], axis=1)


def _make_msg(in_dim, be, lowp):
    k = in_dim * H
    grid = E // be
    obr = be * H // 128
    if in_dim >= 128:
        xs_spec = pl.BlockSpec((be, in_dim), lambda i: (i, 0))
    else:
        xs_spec = pl.BlockSpec((be * in_dim // 128, 128), lambda i: (i, 0))
    return pl.pallas_call(
        functools.partial(_msg_body, in_dim, be, lowp),
        grid=(grid,),
        in_specs=[
            pl.BlockSpec((be, EDGE_IN), lambda i: (i, 0)),
            xs_spec,
            pl.BlockSpec((EDGE_IN, k), lambda i: (0, 0)),
            pl.BlockSpec((1, k), lambda i: (0, 0)),
            pl.BlockSpec((in_dim, k), lambda i: (0, 0)),
            pl.BlockSpec((k, H), lambda i: (0, 0)),
        ],
        out_specs=pl.BlockSpec((obr, 128), lambda i: (i, 0)),
        out_shape=jax.ShapeDtypeStruct((E_PAD * H // 128, 128), jnp.float32),
    )


_msg1 = _make_msg(NODE_IN, BE1, False)
_msg23 = _make_msg(H, BE2, False)


def _update_body(in_dim, head, agg_ref, cnt_ref, x_ref, root_ref, bias_ref,
                 *rest):
    if head:
        Wo1_ref, bo1_ref, Wo2_ref, bo2_ref, out_ref = rest
    else:
        (out_ref,) = rest
    agg = (agg_ref[0] + agg_ref[1])[:N]
    cnt = (cnt_ref[0] + cnt_ref[1])[:N]
    cnt = jnp.maximum(cnt, 1.0)
    x = x_ref[...]
    h = jnp.maximum(
        agg / cnt + jnp.dot(x, root_ref[...],
                            preferred_element_type=jnp.float32)
        + bias_ref[...], 0.0)
    if head:
        h4 = jnp.maximum(
            jnp.dot(h, Wo1_ref[...],
                    preferred_element_type=jnp.float32) + bo1_ref[...], 0.0)
        out_ref[...] = (jnp.dot(h4, Wo2_ref[...],
                                preferred_element_type=jnp.float32)
                        + bo2_ref[...])
    else:
        out_ref[...] = h


def _make_update(in_dim):
    return pl.pallas_call(
        functools.partial(_update_body, in_dim, False),
        out_shape=jax.ShapeDtypeStruct((N, H), jnp.float32),
    )


_update128 = _make_update(NODE_IN)
_update16 = _make_update(H)

_final = pl.pallas_call(
    functools.partial(_update_body, H, True),
    out_shape=jax.ShapeDtypeStruct((N, 1), jnp.float32),
)


def _perm(A, b, in_dim):
    Ap = A.reshape(EDGE_IN, in_dim, H).transpose(0, 2, 1).reshape(EDGE_IN, in_dim * H)
    bp = b.reshape(in_dim, H).T.reshape(1, in_dim * H)
    return Ap, bp


def _sel(in_dim):
    k = in_dim * H
    rows = jnp.arange(k) // in_dim
    return rows[:, None] == jnp.arange(H)[None, :]


def _tilemat(in_dim):
    k = in_dim * H
    cols = jnp.arange(k) % in_dim
    return (jnp.arange(in_dim)[:, None] == cols[None, :]).astype(jnp.bfloat16)


def kernel(x, edge_index, edge_attr,
           A1, b1, root1, bias1,
           A2, b2, root2, bias2,
           A3, b3, root3, bias3,
           Wo1, bo1, Wo2, bo2):
    pad = E_PAD - E
    src = jnp.concatenate(
        [edge_index[0], jnp.zeros((pad,), jnp.int32)]).reshape(E_PAD // CH, CH)
    dst = jnp.concatenate(
        [edge_index[1], jnp.full((pad,), N, jnp.int32)]).reshape(E_PAD // CH, CH)
    zeros = jnp.zeros((RPT, H), jnp.float32)
    ones = jnp.ones((CH, H), jnp.float32)

    A1p, b1p = _perm(A1, b1, NODE_IN)
    A2p, b2p = _perm(A2, b2, H)
    A3p, b3p = _perm(A3, b3, H)
    sel1 = _sel(NODE_IN).astype(jnp.bfloat16)
    sel2 = _sel(H).astype(jnp.bfloat16)
    t1 = _tilemat(NODE_IN)
    t2 = _tilemat(H)

    def permute(core, pad_val, be):
        sub = be // 8
        p = core.reshape(E // be, 8, sub).swapaxes(1, 2).reshape(E)
        return (jnp.concatenate([p, jnp.full((pad,), pad_val, jnp.int32)])
                .reshape(E_PAD // CH, CH))

    dstp1 = permute(edge_index[1], N, BE1)
    dstp2 = permute(edge_index[1], N, BE2)
    srcp2 = permute(edge_index[0], 0, BE2)

    xs = _make_gather(NODE_IN)(x, src)
    msg = _msg1(edge_attr, xs, A1p, b1p, t1, sel1)
    agg, cnt = _make_scatter(True)(msg.reshape(E_PAD, H), dstp1, zeros, ones)
    h = _update128(agg, cnt, x, root1, bias1.reshape(1, H))

    xs = _make_gather(H)(h, srcp2)
    msg = _msg23(edge_attr, xs.reshape(E_PAD * H // 128, 128), A2p, b2p, t2, sel2)
    agg = _make_scatter(False)(msg.reshape(E_PAD, H), dstp2, zeros)
    h = _update16(agg, cnt, h, root2, bias2.reshape(1, H))

    xs = _make_gather(H)(h, srcp2)
    msg = _msg23(edge_attr, xs.reshape(E_PAD * H // 128, 128), A3p, b3p, t2, sel2)
    agg = _make_scatter(False)(msg.reshape(E_PAD, H), dstp2, zeros)
    out = _final(agg, cnt, h, root3, bias3.reshape(1, H),
                 Wo1, bo1.reshape(1, H), Wo2, bo2.reshape(1, 1))
    return out

# --- scband reference (transcript-rebuilt; emitter-appended) ---
"""Pipeline reference for scband-stress-gnn-8237747274157 (READ-ONLY COPY).

The authoritative reference and input builder live on the scoring server;
editing this copy changes nothing except your own understanding.
"""

import jax, jax.numpy as jnp
import numpy as np

N = 10000
E = 160000
NODE_IN = 128
EDGE_IN = 4
H = 16


def setup_inputs(seed: int = 0) -> dict:
    key = jax.random.key(seed)
    ks = jax.random.split(key, 20)

    def lin(kw, kb, fan_in, fan_out):
        bound = 1.0 / np.sqrt(fan_in)
        W = jax.random.uniform(kw, (fan_in, fan_out), jnp.float32, -bound, bound)
        b = jax.random.uniform(kb, (fan_out,), jnp.float32, -bound, bound)
        return W, b

    x = jax.random.normal(ks[0], (N, NODE_IN), dtype=jnp.float32)
    edge_index = jax.random.randint(ks[1], (2, E), 0, N, dtype=jnp.int32)
    edge_attr = jax.random.uniform(ks[2], (E, EDGE_IN), dtype=jnp.float32)

    # NNConv layer 1: edge-MLP (edge_in -> node_in*H), root weight, bias
    A1, b1 = lin(ks[3], ks[4], EDGE_IN, NODE_IN * H)
    root1 = jax.random.uniform(ks[5], (NODE_IN, H), jnp.float32, -1.0 / np.sqrt(NODE_IN), 1.0 / np.sqrt(NODE_IN))
    bias1 = jnp.zeros((H,), jnp.float32)
    # NNConv layer 2
    A2, b2 = lin(ks[6], ks[7], EDGE_IN, H * H)
    root2 = jax.random.uniform(ks[8], (H, H), jnp.float32, -1.0 / np.sqrt(H), 1.0 / np.sqrt(H))
    bias2 = jnp.zeros((H,), jnp.float32)
    # NNConv layer 3
    A3, b3 = lin(ks[9], ks[10], EDGE_IN, H * H)
    root3 = jax.random.uniform(ks[11], (H, H), jnp.float32, -1.0 / np.sqrt(H), 1.0 / np.sqrt(H))
    bias3 = jnp.zeros((H,), jnp.float32)
    # Output head: Linear(H,H) + ReLU + Linear(H,1)
    Wo1, bo1 = lin(ks[12], ks[13], H, H)
    Wo2, bo2 = lin(ks[14], ks[15], H, 1)

    return {
        "x": x, "edge_index": edge_index, "edge_attr": edge_attr,
        "A1": A1, "b1": b1, "root1": root1, "bias1": bias1,
        "A2": A2, "b2": b2, "root2": root2, "bias2": bias2,
        "A3": A3, "b3": b3, "root3": root3, "bias3": bias3,
        "Wo1": Wo1, "bo1": bo1, "Wo2": Wo2, "bo2": bo2,
    }


def nnconv(x, edge_index, edge_attr, A, b, root, bias, in_dim, out_dim):
    src = edge_index[0]
    dst = edge_index[1]
    # edge-conditioned weights: nn(edge_attr) with ReLU, reshaped to [E, in, out]
    W_e = jax.nn.relu(edge_attr @ A + b).reshape(-1, in_dim, out_dim)
    # per-edge message: x_src^T W_e
    msg = jnp.einsum("ei,eio->eo", x[src], W_e)
    # mean aggregation at destination nodes
    agg_sum = jax.ops.segment_sum(msg, dst, num_segments=N)
    cnt = jax.ops.segment_sum(jnp.ones((msg.shape[0],), jnp.float32), dst, num_segments=N)
    agg = agg_sum / jnp.clip(cnt, 1.0)[:, None]
    # root weight + bias (PyG NNConv default root_weight=True, bias=True)
    return agg + x @ root + bias


def reference(x, edge_index, edge_attr,
              A1, b1, root1, bias1,
              A2, b2, root2, bias2,
              A3, b3, root3, bias3,
              Wo1, bo1, Wo2, bo2):
    h = jax.nn.relu(nnconv(x, edge_index, edge_attr, A1, b1, root1, bias1, NODE_IN, H))
    h = jax.nn.relu(nnconv(h, edge_index, edge_attr, A2, b2, root2, bias2, H, H))
    h = jax.nn.relu(nnconv(h, edge_index, edge_attr, A3, b3, root3, bias3, H, H))
    h = jax.nn.relu(h @ Wo1 + bo1)
    out = h @ Wo2 + bo2
    return out

if __name__ == "__main__":
    import jax
    _d = setup_inputs()
    print(jax.jit(kernel)(*tuple(_d.values())))

</pallas_src>

<mosaic_0001>
#map = affine_map<(d0, d1) -> (0, 0)>
module attributes {stable_mosaic.version = 14 : i64} {
  func.func @gather(%arg0: i32, %arg1: i32, %arg2: memref<10000x16xf32, #tpu.memory_space<hbm>>, %arg3: memref<1280x128xi32, #tpu.memory_space<hbm>>, %arg4: memref<163840x16xf32, #tpu.memory_space<hbm>>, %arg5: memref<40x128xi32, #tpu.memory_space<vmem>>, %arg6: memref<128x16xf32, #tpu.memory_space<vmem>>, %arg7: memref<!tpu.dma_semaphore, #tpu.memory_space<semaphore_mem>>) attributes {dimension_semantics = [#tpu.dimension_semantics<core_parallel>, #tpu.dimension_semantics<subcore_parallel>], iteration_bounds = array<i64: 2, 16>, scalar_prefetch = 0 : i64, scratch_operands = 3 : i64, tpu.core_type = #tpu.core_type<sc_vector_subcore>, window_params = [{transform_indices = #map}, {transform_indices = #map}, {transform_indices = #map}]} {
    %mul3A = arith.constant 2 : i32
    %mul3A_0 = arith.muli %arg1, %mul3A : i32
    %add3A = arith.addi %mul3A_0, %arg0 : i32
    %mul3A_1 = arith.constant 40 : i32
    %mul3A_2 = arith.muli %add3A, %mul3A_1 : i32
    "tpu.region"() ({
      %run_scoped3A = tpu.sem_alloc : memref<!tpu.dma_semaphore, #tpu.memory_space<semaphore_mem>>
      %dma_start3A = arith.constant 0 : i32
      %dma_start3A_8 = tpu.memref_slice %arg3[%mul3A_2, %dma_start3A] : memref<1280x128xi32, #tpu.memory_space<hbm>> -> memref<40x128xi32, #tpu.memory_space<hbm>>
      %dma_start3A_9 = arith.constant 0 : i32
      %dma_start3A_10 = tpu.memref_slice %arg3[%mul3A_2, %dma_start3A_9] : memref<1280x128xi32, #tpu.memory_space<hbm>> -> memref<40x128xi32, #tpu.memory_space<hbm>>
      tpu.enqueue_dma source(%dma_start3A_10 : memref<40x128xi32, #tpu.memory_space<hbm>>) target(%arg5 : memref<40x128xi32, #tpu.memory_space<vmem>>) target_semaphore(%run_scoped3A : memref<!tpu.dma_semaphore, #tpu.memory_space<semaphore_mem>>)
      %dma_wait3A = arith.constant 0 : i32
      %dma_wait3A_11 = tpu.memref_slice %arg3[%mul3A_2, %dma_wait3A] : memref<1280x128xi32, #tpu.memory_space<hbm>> -> memref<40x128xi32, #tpu.memory_space<hbm>>
      %dma_wait3A_12 = arith.constant 0 : i32
      %dma_wait3A_13 = tpu.memref_slice %arg3[%mul3A_2, %dma_wait3A_12] : memref<1280x128xi32, #tpu.memory_space<hbm>> -> memref<40x128xi32, #tpu.memory_space<hbm>>
      tpu.wait_dma2 semaphore(%run_scoped3A : memref<!tpu.dma_semaphore, #tpu.memory_space<semaphore_mem>>) src(%dma_wait3A_13 : memref<40x128xi32, #tpu.memory_space<hbm>>) dst(%arg5 : memref<40x128xi32, #tpu.memory_space<vmem>>)
      tpu.yield
    }) : () -> ()
    %scan3A = arith.constant 0 : i32
    %scan3A_3 = arith.constant 0 : i32
    %scan3A_4 = arith.constant 40 : i32
    %scan3A_5 = arith.addi %scan3A_3, %scan3A_4 : i32
    %scan3A_6 = arith.constant 1 : i32
    scf.for %scan3A_8 = %scan3A_3 to %scan3A_5 step %scan3A_6  : i32 {
      %dma_start3A = arith.constant 0 : i32
      %dma_start3A_9 = tpu.memref_slice %arg5[%scan3A_8, %dma_start3A] : memref<40x128xi32, #tpu.memory_space<vmem>> -> memref<1x128xi32, #tpu.memory_space<vmem>>
      %dma_start3A_10 = tpu.memref_squeeze %dma_start3A_9 : memref<1x128xi32, #tpu.memory_space<vmem>> -> memref<128xi32, #tpu.memory_space<vmem>>
      %dma_start3A_11 = arith.constant 0 : i32
      %dma_start3A_12 = arith.constant 0 : i32
      %dma_start3A_13 = tpu.memref_slice %arg2[%dma_start3A_11, %dma_start3A_12] : memref<10000x16xf32, #tpu.memory_space<hbm>> -> memref<10000x16xf32, #tpu.memory_space<hbm>>
      tpu.enqueue_indirect_dma source(%dma_start3A_13 : memref<10000x16xf32, #tpu.memory_space<hbm>>) target(%arg6 : memref<128x16xf32, #tpu.memory_space<vmem>>) offsets(%dma_start3A_10 : memref<128xi32, #tpu.memory_space<vmem>>) semaphore(%arg7 : memref<!tpu.dma_semaphore, #tpu.memory_space<semaphore_mem>>)
      %dma_wait3A = arith.constant 0 : i32
      %dma_wait3A_14 = tpu.memref_slice %arg5[%scan3A_8, %dma_wait3A] : memref<40x128xi32, #tpu.memory_space<vmem>> -> memref<1x128xi32, #tpu.memory_space<vmem>>
      %dma_wait3A_15 = tpu.memref_squeeze %dma_wait3A_14 : memref<1x128xi32, #tpu.memory_space<vmem>> -> memref<128xi32, #tpu.memory_space<vmem>>
      %dma_wait3A_16 = arith.constant 0 : i32
      %dma_wait3A_17 = arith.constant 0 : i32
      %dma_wait3A_18 = tpu.memref_slice %arg2[%dma_wait3A_16, %dma_wait3A_17] : memref<10000x16xf32, #tpu.memory_space<hbm>> -> memref<10000x16xf32, #tpu.memory_space<hbm>>
      tpu.wait_indirect_dma semaphore(%arg7 : memref<!tpu.dma_semaphore, #tpu.memory_space<semaphore_mem>>) src(%dma_wait3A_18 : memref<10000x16xf32, #tpu.memory_space<hbm>>) dst(%arg6 : memref<128x16xf32, #tpu.memory_space<vmem>>)
      %mul3A_19 = arith.constant 5120 : i32
      %mul3A_20 = arith.muli %add3A, %mul3A_19 : i32
      %mul3A_21 = arith.constant 128 : i32
      %mul3A_22 = arith.muli %scan3A_8, %mul3A_21 : i32
      %add3A_23 = arith.addi %mul3A_20, %mul3A_22 : i32
      "tpu.region"() ({
        %run_scoped3A = tpu.sem_alloc : memref<!tpu.dma_semaphore, #tpu.memory_space<semaphore_mem>>
        %dma_start3A_24 = arith.constant 0 : i32
        %dma_start3A_25 = tpu.memref_slice %arg4[%add3A_23, %dma_start3A_24] : memref<163840x16xf32, #tpu.memory_space<hbm>> -> memref<128x16xf32, #tpu.memory_space<hbm>>
        %dma_start3A_26 = arith.constant 0 : i32
        %dma_start3A_27 = tpu.memref_slice %arg4[%add3A_23, %dma_start3A_26] : memref<163840x16xf32, #tpu.memory_space<hbm>> -> memref<128x16xf32, #tpu.memory_space<hbm>>
        tpu.enqueue_dma source(%arg6 : memref<128x16xf32, #tpu.memory_space<vmem>>) target(%dma_start3A_27 : memref<128x16xf32, #tpu.memory_space<hbm>>) target_semaphore(%run_scoped3A : memref<!tpu.dma_semaphore, #tpu.memory_space<semaphore_mem>>)
        %dma_wait3A_28 = arith.constant 0 : i32
        %dma_wait3A_29 = tpu.memref_slice %arg4[%add3A_23, %dma_wait3A_28] : memref<163840x16xf32, #tpu.memory_space<hbm>> -> memref<128x16xf32, #tpu.memory_space<hbm>>
        %dma_wait3A_30 = arith.constant 0 : i32
        %dma_wait3A_31 = tpu.memref_slice %arg4[%add3A_23, %dma_wait3A_30] : memref<163840x16xf32, #tpu.memory_space<hbm>> -> memref<128x16xf32, #tpu.memory_space<hbm>>
        tpu.wait_dma2 semaphore(%run_scoped3A : memref<!tpu.dma_semaphore, #tpu.memory_space<semaphore_mem>>) src(%arg6 : memref<128x16xf32, #tpu.memory_space<vmem>>) dst(%dma_wait3A_31 : memref<128x16xf32, #tpu.memory_space<hbm>>)
        tpu.yield
      }) : () -> ()
    }
    %scan3A_7 = arith.constant 40 : i32
    return
  }
}

#map = affine_map<(d0, d1) -> (0, 0)>
module attributes {stable_mosaic.version = 14 : i64} {
  func.func @gather(%arg0: i32, %arg1: i32, %arg2: memref<10000x128xf32, #tpu.memory_space<hbm>>, %arg3: memref<1280x128xi32, #tpu.memory_space<hbm>>, %arg4: memref<163840x128xf32, #tpu.memory_space<hbm>>, %arg5: memref<40x128xi32, #tpu.memory_space<vmem>>, %arg6: memref<128x128xf32, #tpu.memory_space<vmem>>, %arg7: memref<!tpu.dma_semaphore, #tpu.memory_space<semaphore_mem>>) attributes {dimension_semantics = [#tpu.dimension_semantics<core_parallel>, #tpu.dimension_semantics<subcore_parallel>], iteration_bounds = array<i64: 2, 16>, scalar_prefetch = 0 : i64, scratch_operands = 3 : i64, tpu.core_type = #tpu.core_type<sc_vector_subcore>, window_params = [{transform_indices = #map}, {transform_indices = #map}, {transform_indices = #map}]} {
    %mul3A = arith.constant 2 : i32
    %mul3A_0 = arith.muli %arg1, %mul3A : i32
    %add3A = arith.addi %mul3A_0, %arg0 : i32
    %mul3A_1 = arith.constant 40 : i32
    %mul3A_2 = arith.muli %add3A, %mul3A_1 : i32
    "tpu.region"() ({
      %run_scoped3A = tpu.sem_alloc : memref<!tpu.dma_semaphore, #tpu.memory_space<semaphore_mem>>
      %dma_start3A = arith.constant 0 : i32
      %dma_start3A_8 = tpu.memref_slice %arg3[%mul3A_2, %dma_start3A] : memref<1280x128xi32, #tpu.memory_space<hbm>> -> memref<40x128xi32, #tpu.memory_space<hbm>>
      %dma_start3A_9 = arith.constant 0 : i32
      %dma_start3A_10 = tpu.memref_slice %arg3[%mul3A_2, %dma_start3A_9] : memref<1280x128xi32, #tpu.memory_space<hbm>> -> memref<40x128xi32, #tpu.memory_space<hbm>>
      tpu.enqueue_dma source(%dma_start3A_10 : memref<40x128xi32, #tpu.memory_space<hbm>>) target(%arg5 : memref<40x128xi32, #tpu.memory_space<vmem>>) target_semaphore(%run_scoped3A : memref<!tpu.dma_semaphore, #tpu.memory_space<semaphore_mem>>)
      %dma_wait3A = arith.constant 0 : i32
      %dma_wait3A_11 = tpu.memref_slice %arg3[%mul3A_2, %dma_wait3A] : memref<1280x128xi32, #tpu.memory_space<hbm>> -> memref<40x128xi32, #tpu.memory_space<hbm>>
      %dma_wait3A_12 = arith.constant 0 : i32
      %dma_wait3A_13 = tpu.memref_slice %arg3[%mul3A_2, %dma_wait3A_12] : memref<1280x128xi32, #tpu.memory_space<hbm>> -> memref<40x128xi32, #tpu.memory_space<hbm>>
      tpu.wait_dma2 semaphore(%run_scoped3A : memref<!tpu.dma_semaphore, #tpu.memory_space<semaphore_mem>>) src(%dma_wait3A_13 : memref<40x128xi32, #tpu.memory_space<hbm>>) dst(%arg5 : memref<40x128xi32, #tpu.memory_space<vmem>>)
      tpu.yield
    }) : () -> ()
    %scan3A = arith.constant 0 : i32
    %scan3A_3 = arith.constant 0 : i32
    %scan3A_4 = arith.constant 40 : i32
    %scan3A_5 = arith.addi %scan3A_3, %scan3A_4 : i32
    %scan3A_6 = arith.constant 1 : i32
    scf.for %scan3A_8 = %scan3A_3 to %scan3A_5 step %scan3A_6  : i32 {
      %dma_start3A = arith.constant 0 : i32
      %dma_start3A_9 = tpu.memref_slice %arg5[%scan3A_8, %dma_start3A] : memref<40x128xi32, #tpu.memory_space<vmem>> -> memref<1x128xi32, #tpu.memory_space<vmem>>
      %dma_start3A_10 = tpu.memref_squeeze %dma_start3A_9 : memref<1x128xi32, #tpu.memory_space<vmem>> -> memref<128xi32, #tpu.memory_space<vmem>>
      %dma_start3A_11 = arith.constant 0 : i32
      %dma_start3A_12 = arith.constant 0 : i32
      %dma_start3A_13 = tpu.memref_slice %arg2[%dma_start3A_11, %dma_start3A_12] : memref<10000x128xf32, #tpu.memory_space<hbm>> -> memref<10000x128xf32, #tpu.memory_space<hbm>>
      tpu.enqueue_indirect_dma source(%dma_start3A_13 : memref<10000x128xf32, #tpu.memory_space<hbm>>) target(%arg6 : memref<128x128xf32, #tpu.memory_space<vmem>>) offsets(%dma_start3A_10 : memref<128xi32, #tpu.memory_space<vmem>>) semaphore(%arg7 : memref<!tpu.dma_semaphore, #tpu.memory_space<semaphore_mem>>)
      %dma_wait3A = arith.constant 0 : i32
      %dma_wait3A_14 = tpu.memref_slice %arg5[%scan3A_8, %dma_wait3A] : memref<40x128xi32, #tpu.memory_space<vmem>> -> memref<1x128xi32, #tpu.memory_space<vmem>>
      %dma_wait3A_15 = tpu.memref_squeeze %dma_wait3A_14 : memref<1x128xi32, #tpu.memory_space<vmem>> -> memref<128xi32, #tpu.memory_space<vmem>>
      %dma_wait3A_16 = arith.constant 0 : i32
      %dma_wait3A_17 = arith.constant 0 : i32
      %dma_wait3A_18 = tpu.memref_slice %arg2[%dma_wait3A_16, %dma_wait3A_17] : memref<10000x128xf32, #tpu.memory_space<hbm>> -> memref<10000x128xf32, #tpu.memory_space<hbm>>
      tpu.wait_indirect_dma semaphore(%arg7 : memref<!tpu.dma_semaphore, #tpu.memory_space<semaphore_mem>>) src(%dma_wait3A_18 : memref<10000x128xf32, #tpu.memory_space<hbm>>) dst(%arg6 : memref<128x128xf32, #tpu.memory_space<vmem>>)
      %mul3A_19 = arith.constant 5120 : i32
      %mul3A_20 = arith.muli %add3A, %mul3A_19 : i32
      %mul3A_21 = arith.constant 128 : i32
      %mul3A_22 = arith.muli %scan3A_8, %mul3A_21 : i32
      %add3A_23 = arith.addi %mul3A_20, %mul3A_22 : i32
      "tpu.region"() ({
        %run_scoped3A = tpu.sem_alloc : memref<!tpu.dma_semaphore, #tpu.memory_space<semaphore_mem>>
        %dma_start3A_24 = arith.constant 0 : i32
        %dma_start3A_25 = tpu.memref_slice %arg4[%add3A_23, %dma_start3A_24] : memref<163840x128xf32, #tpu.memory_space<hbm>> -> memref<128x128xf32, #tpu.memory_space<hbm>>
        %dma_start3A_26 = arith.constant 0 : i32
        %dma_start3A_27 = tpu.memref_slice %arg4[%add3A_23, %dma_start3A_26] : memref<163840x128xf32, #tpu.memory_space<hbm>> -> memref<128x128xf32, #tpu.memory_space<hbm>>
        tpu.enqueue_dma source(%arg6 : memref<128x128xf32, #tpu.memory_space<vmem>>) target(%dma_start3A_27 : memref<128x128xf32, #tpu.memory_space<hbm>>) target_semaphore(%run_scoped3A : memref<!tpu.dma_semaphore, #tpu.memory_space<semaphore_mem>>)
        %dma_wait3A_28 = arith.constant 0 : i32
        %dma_wait3A_29 = tpu.memref_slice %arg4[%add3A_23, %dma_wait3A_28] : memref<163840x128xf32, #tpu.memory_space<hbm>> -> memref<128x128xf32, #tpu.memory_space<hbm>>
        %dma_wait3A_30 = arith.constant 0 : i32
        %dma_wait3A_31 = tpu.memref_slice %arg4[%add3A_23, %dma_wait3A_30] : memref<163840x128xf32, #tpu.memory_space<hbm>> -> memref<128x128xf32, #tpu.memory_space<hbm>>
        tpu.wait_dma2 semaphore(%run_scoped3A : memref<!tpu.dma_semaphore, #tpu.memory_space<semaphore_mem>>) src(%arg6 : memref<128x128xf32, #tpu.memory_space<vmem>>) dst(%dma_wait3A_31 : memref<128x128xf32, #tpu.memory_space<hbm>>)
        tpu.yield
      }) : () -> ()
    }
    %scan3A_7 = arith.constant 40 : i32
    return
  }
}

#map = affine_map<(d0, d1) -> (0, 0)>
#map1 = affine_map<(d0, d1) -> (0, 0, 0)>
module attributes {stable_mosaic.version = 14 : i64} {
  func.func @scatter(%arg0: i32, %arg1: i32, %arg2: memref<163840x16xf32, #tpu.memory_space<hbm>>, %arg3: memref<1280x128xi32, #tpu.memory_space<hbm>>, %arg4: memref<640x16xf32, #tpu.memory_space<hbm>>, %arg5: memref<128x16xf32, #tpu.memory_space<hbm>>, %arg6: memref<2x10240x16xf32, #tpu.memory_space<hbm>>, %arg7: memref<2x10240x16xf32, #tpu.memory_space<hbm>>, %arg8: memref<40x128xi32, #tpu.memory_space<vmem>>, %arg9: memref<5120x16xf32, #tpu.memory_space<vmem>>, %arg10: memref<10240x16xf32, #tpu.memory_space<vmem_shared>>, %arg11: memref<128x16xf32, #tpu.memory_space<vmem>>, %arg12: memref<10240x16xf32, #tpu.memory_space<vmem_shared>>) attributes {dimension_semantics = [#tpu.dimension_semantics<core_parallel>, #tpu.dimension_semantics<subcore_parallel>], iteration_bounds = array<i64: 2, 16>, scalar_prefetch = 0 : i64, scratch_operands = 5 : i64, tpu.core_type = #tpu.core_type<sc_vector_subcore>, window_params = [{transform_indices = #map}, {transform_indices = #map}, {transform_indices = #map}, {transform_indices = #map}, {transform_indices = #map1}, {transform_indices = #map1}]} {
    %mul3A = arith.constant 2 : i32
    %mul3A_0 = arith.muli %arg1, %mul3A : i32
    %add3A = arith.addi %mul3A_0, %arg0 : i32
    %mul3A_1 = arith.constant 640 : i32
    %mul3A_2 = arith.muli %arg1, %mul3A_1 : i32
    "tpu.region"() ({
      %run_scoped3A = tpu.sem_alloc : memref<!tpu.dma_semaphore, #tpu.memory_space<semaphore_mem>>
      %dma_start3A = arith.constant 0 : i32
      %dma_start3A_23 = tpu.memref_slice %arg10[%mul3A_2, %dma_start3A] : memref<10240x16xf32, #tpu.memory_space<vmem_shared>> -> memref<640x16xf32, #tpu.memory_space<vmem_shared>>
      tpu.enqueue_dma source(%arg4 : memref<640x16xf32, #tpu.memory_space<hbm>>) target(%dma_start3A_23 : memref<640x16xf32, #tpu.memory_space<vmem_shared>>) target_semaphore(%run_scoped3A : memref<!tpu.dma_semaphore, #tpu.memory_space<semaphore_mem>>)
      %dma_wait3A = arith.constant 0 : i32
      %dma_wait3A_24 = tpu.memref_slice %arg10[%mul3A_2, %dma_wait3A] : memref<10240x16xf32, #tpu.memory_space<vmem_shared>> -> memref<640x16xf32, #tpu.memory_space<vmem_shared>>
      tpu.wait_dma2 semaphore(%run_scoped3A : memref<!tpu.dma_semaphore, #tpu.memory_space<semaphore_mem>>) src(%arg4 : memref<640x16xf32, #tpu.memory_space<hbm>>) dst(%dma_wait3A_24 : memref<640x16xf32, #tpu.memory_space<vmem_shared>>)
      tpu.yield
    }) : () -> ()
    %mul3A_3 = arith.constant 640 : i32
    %mul3A_4 = arith.muli %arg1, %mul3A_3 : i32
    "tpu.region"() ({
      %run_scoped3A = tpu.sem_alloc : memref<!tpu.dma_semaphore, #tpu.memory_space<semaphore_mem>>
      %dma_start3A = arith.constant 0 : i32
      %dma_start3A_23 = tpu.memref_slice %arg12[%mul3A_4, %dma_start3A] : memref<10240x16xf32, #tpu.memory_space<vmem_shared>> -> memref<640x16xf32, #tpu.memory_space<vmem_shared>>
      tpu.enqueue_dma source(%arg4 : memref<640x16xf32, #tpu.memory_space<hbm>>) target(%dma_start3A_23 : memref<640x16xf32, #tpu.memory_space<vmem_shared>>) target_semaphore(%run_scoped3A : memref<!tpu.dma_semaphore, #tpu.memory_space<semaphore_mem>>)
      %dma_wait3A = arith.constant 0 : i32
      %dma_wait3A_24 = tpu.memref_slice %arg12[%mul3A_4, %dma_wait3A] : memref<10240x16xf32, #tpu.memory_space<vmem_shared>> -> memref<640x16xf32, #tpu.memory_space<vmem_shared>>
      tpu.wait_dma2 semaphore(%run_scoped3A : memref<!tpu.dma_semaphore, #tpu.memory_space<semaphore_mem>>) src(%arg4 : memref<640x16xf32, #tpu.memory_space<hbm>>) dst(%dma_wait3A_24 : memref<640x16xf32, #tpu.memory_space<vmem_shared>>)
      tpu.yield
    }) : () -> ()
    "tpu.region"() ({
      %run_scoped3A = tpu.sem_alloc : memref<!tpu.dma_semaphore, #tpu.memory_space<semaphore_mem>>
      tpu.enqueue_dma source(%arg5 : memref<128x16xf32, #tpu.memory_space<hbm>>) target(%arg11 : memref<128x16xf32, #tpu.memory_space<vmem>>) target_semaphore(%run_scoped3A : memref<!tpu.dma_semaphore, #tpu.memory_space<semaphore_mem>>)
      tpu.wait_dma2 semaphore(%run_scoped3A : memref<!tpu.dma_semaphore, #tpu.memory_space<semaphore_mem>>) src(%arg5 : memref<128x16xf32, #tpu.memory_space<hbm>>) dst(%arg11 : memref<128x16xf32, #tpu.memory_space<vmem>>)
      tpu.yield
    }) : () -> ()
    %mul3A_5 = arith.constant 40 : i32
    %mul3A_6 = arith.muli %add3A, %mul3A_5 : i32
    "tpu.region"() ({
      %run_scoped3A = tpu.sem_alloc : memref<!tpu.dma_semaphore, #tpu.memory_space<semaphore_mem>>
      %dma_start3A = arith.constant 0 : i32
      %dma_start3A_23 = tpu.memref_slice %arg3[%mul3A_6, %dma_start3A] : memref<1280x128xi32, #tpu.memory_space<hbm>> -> memref<40x128xi32, #tpu.memory_space<hbm>>
      %dma_start3A_24 = arith.constant 0 : i32
      %dma_start3A_25 = tpu.memref_slice %arg3[%mul3A_6, %dma_start3A_24] : memref<1280x128xi32, #tpu.memory_space<hbm>> -> memref<40x128xi32, #tpu.memory_space<hbm>>
      tpu.enqueue_dma source(%dma_start3A_25 : memref<40x128xi32, #tpu.memory_space<hbm>>) target(%arg8 : memref<40x128xi32, #tpu.memory_space<vmem>>) target_semaphore(%run_scoped3A : memref<!tpu.dma_semaphore, #tpu.memory_space<semaphore_mem>>)
      %dma_wait3A = arith.constant 0 : i32
      %dma_wait3A_26 = tpu.memref_slice %arg3[%mul3A_6, %dma_wait3A] : memref<1280x128xi32, #tpu.memory_space<hbm>> -> memref<40x128xi32, #tpu.memory_space<hbm>>
      %dma_wait3A_27 = arith.constant 0 : i32
      %dma_wait3A_28 = tpu.memref_slice %arg3[%mul3A_6, %dma_wait3A_27] : memref<1280x128xi32, #tpu.memory_space<hbm>> -> memref<40x128xi32, #tpu.memory_space<hbm>>
      tpu.wait_dma2 semaphore(%run_scoped3A : memref<!tpu.dma_semaphore, #tpu.memory_space<semaphore_mem>>) src(%dma_wait3A_28 : memref<40x128xi32, #tpu.memory_space<hbm>>) dst(%arg8 : memref<40x128xi32, #tpu.memory_space<vmem>>)
      tpu.yield
    }) : () -> ()
    %mul3A_7 = arith.constant 5120 : i32
    %mul3A_8 = arith.muli %add3A, %mul3A_7 : i32
    "tpu.region"() ({
      %run_scoped3A = tpu.sem_alloc : memref<!tpu.dma_semaphore, #tpu.memory_space<semaphore_mem>>
      %dma_start3A = arith.constant 0 : i32
      %dma_start3A_23 = tpu.memref_slice %arg2[%mul3A_8, %dma_start3A] : memref<163840x16xf32, #tpu.memory_space<hbm>> -> memref<5120x16xf32, #tpu.memory_space<hbm>>
      %dma_start3A_24 = arith.constant 0 : i32
      %dma_start3A_25 = tpu.memref_slice %arg2[%mul3A_8, %dma_start3A_24] : memref<163840x16xf32, #tpu.memory_space<hbm>> -> memref<5120x16xf32, #tpu.memory_space<hbm>>
      tpu.enqueue_dma source(%dma_start3A_25 : memref<5120x16xf32, #tpu.memory_space<hbm>>) target(%arg9 : memref<5120x16xf32, #tpu.memory_space<vmem>>) target_semaphore(%run_scoped3A : memref<!tpu.dma_semaphore, #tpu.memory_space<semaphore_mem>>)
      %dma_wait3A = arith.constant 0 : i32
      %dma_wait3A_26 = tpu.memref_slice %arg2[%mul3A_8, %dma_wait3A] : memref<163840x16xf32, #tpu.memory_space<hbm>> -> memref<5120x16xf32, #tpu.memory_space<hbm>>
      %dma_wait3A_27 = arith.constant 0 : i32
      %dma_wait3A_28 = tpu.memref_slice %arg2[%mul3A_8, %dma_wait3A_27] : memref<163840x16xf32, #tpu.memory_space<hbm>> -> memref<5120x16xf32, #tpu.memory_space<hbm>>
      tpu.wait_dma2 semaphore(%run_scoped3A : memref<!tpu.dma_semaphore, #tpu.memory_space<semaphore_mem>>) src(%dma_wait3A_28 : memref<5120x16xf32, #tpu.memory_space<hbm>>) dst(%arg9 : memref<5120x16xf32, #tpu.memory_space<vmem>>)
      tpu.yield
    }) : () -> ()
    %barrier3A = arith.constant 0 : index
    tpu.barrier barrier_id(%barrier3A)
    %scan3A = arith.constant 0 : i32
    %scan3A_9 = arith.constant 0 : i32
    %scan3A_10 = arith.constant 40 : i32
    %scan3A_11 = arith.addi %scan3A_9, %scan3A_10 : i32
    %scan3A_12 = arith.constant 1 : i32
    scf.for %scan3A_23 = %scan3A_9 to %scan3A_11 step %scan3A_12  : i32 {
      %mul3A_24 = arith.constant 128 : i32
      %mul3A_25 = arith.muli %scan3A_23, %mul3A_24 : i32
      "tpu.region"() ({
        %run_scoped3A = tpu.sem_alloc : memref<!tpu.dma_semaphore, #tpu.memory_space<semaphore_mem>>
        %dma_start3A = arith.constant 0 : i32
        %dma_start3A_26 = tpu.memref_slice %arg9[%mul3A_25, %dma_start3A] : memref<5120x16xf32, #tpu.memory_space<vmem>> -> memref<128x16xf32, #tpu.memory_space<vmem>>
        %dma_start3A_27 = arith.constant 0 : i32
        %dma_start3A_28 = tpu.memref_slice %arg8[%scan3A_23, %dma_start3A_27] : memref<40x128xi32, #tpu.memory_space<vmem>> -> memref<1x128xi32, #tpu.memory_space<vmem>>
        %dma_start3A_29 = tpu.memref_squeeze %dma_start3A_28 : memref<1x128xi32, #tpu.memory_space<vmem>> -> memref<128xi32, #tpu.memory_space<vmem>>
        %dma_start3A_30 = arith.constant 0 : i32
        %dma_start3A_31 = arith.constant 0 : i32
        %dma_start3A_32 = tpu.memref_slice %arg10[%dma_start3A_30, %dma_start3A_31] : memref<10240x16xf32, #tpu.memory_space<vmem_shared>> -> memref<10240x16xf32, #tpu.memory_space<vmem_shared>>
        tpu.enqueue_indirect_dma source(%dma_start3A_26 : memref<128x16xf32, #tpu.memory_space<vmem>>) target(%dma_start3A_32 : memref<10240x16xf32, #tpu.memory_space<vmem_shared>>) offsets(%dma_start3A_29 : memref<128xi32, #tpu.memory_space<vmem>>) semaphore(%run_scoped3A : memref<!tpu.dma_semaphore, #tpu.memory_space<semaphore_mem>>) {add = true}
        %dma_wait3A = arith.constant 0 : i32
        %dma_wait3A_33 = tpu.memref_slice %arg9[%mul3A_25, %dma_wait3A] : memref<5120x16xf32, #tpu.memory_space<vmem>> -> memref<128x16xf32, #tpu.memory_space<vmem>>
        %dma_wait3A_34 = arith.constant 0 : i32
        %dma_wait3A_35 = tpu.memref_slice %arg8[%scan3A_23, %dma_wait3A_34] : memref<40x128xi32, #tpu.memory_space<vmem>> -> memref<1x128xi32, #tpu.memory_space<vmem>>
        %dma_wait3A_36 = tpu.memref_squeeze %dma_wait3A_35 : memref<1x128xi32, #tpu.memory_space<vmem>> -> memref<128xi32, #tpu.memory_space<vmem>>
        %dma_wait3A_37 = arith.constant 0 : i32
        %dma_wait3A_38 = arith.constant 0 : i32
        %dma_wait3A_39 = tpu.memref_slice %arg10[%dma_wait3A_37, %dma_wait3A_38] : memref<10240x16xf32, #tpu.memory_space<vmem_shared>> -> memref<10240x16xf32, #tpu.memory_space<vmem_shared>>
        tpu.wait_indirect_dma semaphore(%run_scoped3A : memref<!tpu.dma_semaphore, #tpu.memory_space<semaphore_mem>>) src(%dma_wait3A_33 : memref<128x16xf32, #tpu.memory_space<vmem>>) dst(%dma_wait3A_39 : memref<10240x16xf32, #tpu.memory_space<vmem_shared>>)
        tpu.yield
      }) : () -> ()
      "tpu.region"() ({
        %run_scoped3A = tpu.sem_alloc : memref<!tpu.dma_semaphore, #tpu.memory_space<semaphore_mem>>
        %dma_start3A = arith.constant 0 : i32
        %dma_start3A_26 = tpu.memref_slice %arg8[%scan3A_23, %dma_start3A] : memref<40x128xi32, #tpu.memory_space<vmem>> -> memref<1x128xi32, #tpu.memory_space<vmem>>
        %dma_start3A_27 = tpu.memref_squeeze %dma_start3A_26 : memref<1x128xi32, #tpu.memory_space<vmem>> -> memref<128xi32, #tpu.memory_space<vmem>>
        %dma_start3A_28 = arith.constant 0 : i32
        %dma_start3A_29 = arith.constant 0 : i32
        %dma_start3A_30 = tpu.memref_slice %arg12[%dma_start3A_28, %dma_start3A_29] : memref<10240x16xf32, #tpu.memory_space<vmem_shared>> -> memref<10240x16xf32, #tpu.memory_space<vmem_shared>>
        tpu.enqueue_indirect_dma source(%arg11 : memref<128x16xf32, #tpu.memory_space<vmem>>) target(%dma_start3A_30 : memref<10240x16xf32, #tpu.memory_space<vmem_shared>>) offsets(%dma_start3A_27 : memref<128xi32, #tpu.memory_space<vmem>>) semaphore(%run_scoped3A : memref<!tpu.dma_semaphore, #tpu.memory_space<semaphore_mem>>) {add = true}
        %dma_wait3A = arith.constant 0 : i32
        %dma_wait3A_31 = tpu.memref_slice %arg8[%scan3A_23, %dma_wait3A] : memref<40x128xi32, #tpu.memory_space<vmem>> -> memref<1x128xi32, #tpu.memory_space<vmem>>
        %dma_wait3A_32 = tpu.memref_squeeze %dma_wait3A_31 : memref<1x128xi32, #tpu.memory_space<vmem>> -> memref<128xi32, #tpu.memory_space<vmem>>
        %dma_wait3A_33 = arith.constant 0 : i32
        %dma_wait3A_34 = arith.constant 0 : i32
        %dma_wait3A_35 = tpu.memref_slice %arg12[%dma_wait3A_33, %dma_wait3A_34] : memref<10240x16xf32, #tpu.memory_space<vmem_shared>> -> memref<10240x16xf32, #tpu.memory_space<vmem_shared>>
        tpu.wait_indirect_dma semaphore(%run_scoped3A : memref<!tpu.dma_semaphore, #tpu.memory_space<semaphore_mem>>) src(%arg11 : memref<128x16xf32, #tpu.memory_space<vmem>>) dst(%dma_wait3A_35 : memref<10240x16xf32, #tpu.memory_space<vmem_shared>>)
        tpu.yield
      }) : () -> ()
    }
    %scan3A_13 = arith.constant 40 : i32
    %barrier3A_14 = arith.constant 0 : index
    tpu.barrier barrier_id(%barrier3A_14)
    %mul3A_15 = arith.constant 640 : i32
    %mul3A_16 = arith.muli %arg1, %mul3A_15 : i32
    %mul3A_17 = arith.constant 640 : i32
    %mul3A_18 = arith.muli %arg1, %mul3A_17 : i32
    "tpu.region"() ({
      %run_scoped3A = tpu.sem_alloc : memref<!tpu.dma_semaphore, #tpu.memory_space<semaphore_mem>>
      %dma_start3A = arith.constant 0 : i32
      %dma_start3A_23 = tpu.memref_slice %arg6[%arg0, %mul3A_18, %dma_start3A] : memref<2x10240x16xf32, #tpu.memory_space<hbm>> -> memref<1x640x16xf32, #tpu.memory_space<hbm>>
      %dma_start3A_24 = tpu.memref_squeeze %dma_start3A_23 : memref<1x640x16xf32, #tpu.memory_space<hbm>> -> memref<640x16xf32, #tpu.memory_space<hbm>>
      %dma_start3A_25 = arith.constant 0 : i32
      %dma_start3A_26 = tpu.memref_slice %arg10[%mul3A_16, %dma_start3A_25] : memref<10240x16xf32, #tpu.memory_space<vmem_shared>> -> memref<640x16xf32, #tpu.memory_space<vmem_shared>>
      tpu.enqueue_dma source(%dma_start3A_26 : memref<640x16xf32, #tpu.memory_space<vmem_shared>>) target(%dma_start3A_24 : memref<640x16xf32, #tpu.memory_space<hbm>>) target_semaphore(%run_scoped3A : memref<!tpu.dma_semaphore, #tpu.memory_space<semaphore_mem>>)
      %dma_wait3A = arith.constant 0 : i32
      %dma_wait3A_27 = tpu.memref_slice %arg6[%arg0, %mul3A_18, %dma_wait3A] : memref<2x10240x16xf32, #tpu.memory_space<hbm>> -> memref<1x640x16xf32, #tpu.memory_space<hbm>>
      %dma_wait3A_28 = tpu.memref_squeeze %dma_wait3A_27 : memref<1x640x16xf32, #tpu.memory_space<hbm>> -> memref<640x16xf32, #tpu.memory_space<hbm>>
      %dma_wait3A_29 = arith.constant 0 : i32
      %dma_wait3A_30 = tpu.memref_slice %arg10[%mul3A_16, %dma_wait3A_29] : memref<10240x16xf32, #tpu.memory_space<vmem_shared>> -> memref<640x16xf32, #tpu.memory_space<vmem_shared>>
      tpu.wait_dma2 semaphore(%run_scoped3A : memref<!tpu.dma_semaphore, #tpu.memory_space<semaphore_mem>>) src(%dma_wait3A_30 : memref<640x16xf32, #tpu.memory_space<vmem_shared>>) dst(%dma_wait3A_28 : memref<640x16xf32, #tpu.memory_space<hbm>>)
      tpu.yield
    }) : () -> ()
    %mul3A_19 = arith.constant 640 : i32
    %mul3A_20 = arith.muli %arg1, %mul3A_19 : i32
    %mul3A_21 = arith.constant 640 : i32
    %mul3A_22 = arith.muli %arg1, %mul3A_21 : i32
    "tpu.region"() ({
      %run_scoped3A = tpu.sem_alloc : memref<!tpu.dma_semaphore, #tpu.memory_space<semaphore_mem>>
      %dma_start3A = arith.constant 0 : i32
      %dma_start3A_23 = tpu.memref_slice %arg7[%arg0, %mul3A_22, %dma_start3A] : memref<2x10240x16xf32, #tpu.memory_space<hbm>> -> memref<1x640x16xf32, #tpu.memory_space<hbm>>
      %dma_start3A_24 = tpu.memref_squeeze %dma_start3A_23 : memref<1x640x16xf32, #tpu.memory_space<hbm>> -> memref<640x16xf32, #tpu.memory_space<hbm>>
      %dma_start3A_25 = arith.constant 0 : i32
      %dma_start3A_26 = tpu.memref_slice %arg12[%mul3A_20, %dma_start3A_25] : memref<10240x16xf32, #tpu.memory_space<vmem_shared>> -> memref<640x16xf32, #tpu.memory_space<vmem_shared>>
      tpu.enqueue_dma source(%dma_start3A_26 : memref<640x16xf32, #tpu.memory_space<vmem_shared>>) target(%dma_start3A_24 : memref<640x16xf32, #tpu.memory_space<hbm>>) target_semaphore(%run_scoped3A : memref<!tpu.dma_semaphore, #tpu.memory_space<semaphore_mem>>)
      %dma_wait3A = arith.constant 0 : i32
      %dma_wait3A_27 = tpu.memref_slice %arg7[%arg0, %mul3A_22, %dma_wait3A] : memref<2x10240x16xf32, #tpu.memory_space<hbm>> -> memref<1x640x16xf32, #tpu.memory_space<hbm>>
      %dma_wait3A_28 = tpu.memref_squeeze %dma_wait3A_27 : memref<1x640x16xf32, #tpu.memory_space<hbm>> -> memref<640x16xf32, #tpu.memory_space<hbm>>
      %dma_wait3A_29 = arith.constant 0 : i32
      %dma_wait3A_30 = tpu.memref_slice %arg12[%mul3A_20, %dma_wait3A_29] : memref<10240x16xf32, #tpu.memory_space<vmem_shared>> -> memref<640x16xf32, #tpu.memory_space<vmem_shared>>
      tpu.wait_dma2 semaphore(%run_scoped3A : memref<!tpu.dma_semaphore, #tpu.memory_space<semaphore_mem>>) src(%dma_wait3A_30 : memref<640x16xf32, #tpu.memory_space<vmem_shared>>) dst(%dma_wait3A_28 : memref<640x16xf32, #tpu.memory_space<hbm>>)
      tpu.yield
    }) : () -> ()
    return
  }
}

#map = affine_map<(d0, d1) -> (0, 0)>
#map1 = affine_map<(d0, d1) -> (0, 0, 0)>
module attributes {stable_mosaic.version = 14 : i64} {
  func.func @scatter(%arg0: i32, %arg1: i32, %arg2: memref<163840x16xf32, #tpu.memory_space<hbm>>, %arg3: memref<1280x128xi32, #tpu.memory_space<hbm>>, %arg4: memref<640x16xf32, #tpu.memory_space<hbm>>, %arg5: memref<2x10240x16xf32, #tpu.memory_space<hbm>>, %arg6: memref<40x128xi32, #tpu.memory_space<vmem>>, %arg7: memref<5120x16xf32, #tpu.memory_space<vmem>>, %arg8: memref<10240x16xf32, #tpu.memory_space<vmem_shared>>) attributes {dimension_semantics = [#tpu.dimension_semantics<core_parallel>, #tpu.dimension_semantics<subcore_parallel>], iteration_bounds = array<i64: 2, 16>, scalar_prefetch = 0 : i64, scratch_operands = 3 : i64, tpu.core_type = #tpu.core_type<sc_vector_subcore>, window_params = [{transform_indices = #map}, {transform_indices = #map}, {transform_indices = #map}, {transform_indices = #map1}]} {
    %mul3A = arith.constant 2 : i32
    %mul3A_0 = arith.muli %arg1, %mul3A : i32
    %add3A = arith.addi %mul3A_0, %arg0 : i32
    %mul3A_1 = arith.constant 640 : i32
    %mul3A_2 = arith.muli %arg1, %mul3A_1 : i32
    "tpu.region"() ({
      %run_scoped3A = tpu.sem_alloc : memref<!tpu.dma_semaphore, #tpu.memory_space<semaphore_mem>>
      %dma_start3A = arith.constant 0 : i32
      %dma_start3A_17 = tpu.memref_slice %arg8[%mul3A_2, %dma_start3A] : memref<10240x16xf32, #tpu.memory_space<vmem_shared>> -> memref<640x16xf32, #tpu.memory_space<vmem_shared>>
      tpu.enqueue_dma source(%arg4 : memref<640x16xf32, #tpu.memory_space<hbm>>) target(%dma_start3A_17 : memref<640x16xf32, #tpu.memory_space<vmem_shared>>) target_semaphore(%run_scoped3A : memref<!tpu.dma_semaphore, #tpu.memory_space<semaphore_mem>>)
      %dma_wait3A = arith.constant 0 : i32
      %dma_wait3A_18 = tpu.memref_slice %arg8[%mul3A_2, %dma_wait3A] : memref<10240x16xf32, #tpu.memory_space<vmem_shared>> -> memref<640x16xf32, #tpu.memory_space<vmem_shared>>
      tpu.wait_dma2 semaphore(%run_scoped3A : memref<!tpu.dma_semaphore, #tpu.memory_space<semaphore_mem>>) src(%arg4 : memref<640x16xf32, #tpu.memory_space<hbm>>) dst(%dma_wait3A_18 : memref<640x16xf32, #tpu.memory_space<vmem_shared>>)
      tpu.yield
    }) : () -> ()
    %mul3A_3 = arith.constant 40 : i32
    %mul3A_4 = arith.muli %add3A, %mul3A_3 : i32
    "tpu.region"() ({
      %run_scoped3A = tpu.sem_alloc : memref<!tpu.dma_semaphore, #tpu.memory_space<semaphore_mem>>
      %dma_start3A = arith.constant 0 : i32
      %dma_start3A_17 = tpu.memref_slice %arg3[%mul3A_4, %dma_start3A] : memref<1280x128xi32, #tpu.memory_space<hbm>> -> memref<40x128xi32, #tpu.memory_space<hbm>>
      %dma_start3A_18 = arith.constant 0 : i32
      %dma_start3A_19 = tpu.memref_slice %arg3[%mul3A_4, %dma_start3A_18] : memref<1280x128xi32, #tpu.memory_space<hbm>> -> memref<40x128xi32, #tpu.memory_space<hbm>>
      tpu.enqueue_dma source(%dma_start3A_19 : memref<40x128xi32, #tpu.memory_space<hbm>>) target(%arg6 : memref<40x128xi32, #tpu.memory_space<vmem>>) target_semaphore(%run_scoped3A : memref<!tpu.dma_semaphore, #tpu.memory_space<semaphore_mem>>)
      %dma_wait3A = arith.constant 0 : i32
      %dma_wait3A_20 = tpu.memref_slice %arg3[%mul3A_4, %dma_wait3A] : memref<1280x128xi32, #tpu.memory_space<hbm>> -> memref<40x128xi32, #tpu.memory_space<hbm>>
      %dma_wait3A_21 = arith.constant 0 : i32
      %dma_wait3A_22 = tpu.memref_slice %arg3[%mul3A_4, %dma_wait3A_21] : memref<1280x128xi32, #tpu.memory_space<hbm>> -> memref<40x128xi32, #tpu.memory_space<hbm>>
      tpu.wait_dma2 semaphore(%run_scoped3A : memref<!tpu.dma_semaphore, #tpu.memory_space<semaphore_mem>>) src(%dma_wait3A_22 : memref<40x128xi32, #tpu.memory_space<hbm>>) dst(%arg6 : memref<40x128xi32, #tpu.memory_space<vmem>>)
      tpu.yield
    }) : () -> ()
    %mul3A_5 = arith.constant 5120 : i32
    %mul3A_6 = arith.muli %add3A, %mul3A_5 : i32
    "tpu.region"() ({
      %run_scoped3A = tpu.sem_alloc : memref<!tpu.dma_semaphore, #tpu.memory_space<semaphore_mem>>
      %dma_start3A = arith.constant 0 : i32
      %dma_start3A_17 = tpu.memref_slice %arg2[%mul3A_6, %dma_start3A] : memref<163840x16xf32, #tpu.memory_space<hbm>> -> memref<5120x16xf32, #tpu.memory_space<hbm>>
      %dma_start3A_18 = arith.constant 0 : i32
      %dma_start3A_19 = tpu.memref_slice %arg2[%mul3A_6, %dma_start3A_18] : memref<163840x16xf32, #tpu.memory_space<hbm>> -> memref<5120x16xf32, #tpu.memory_space<hbm>>
      tpu.enqueue_dma source(%dma_start3A_19 : memref<5120x16xf32, #tpu.memory_space<hbm>>) target(%arg7 : memref<5120x16xf32, #tpu.memory_space<vmem>>) target_semaphore(%run_scoped3A : memref<!tpu.dma_semaphore, #tpu.memory_space<semaphore_mem>>)
      %dma_wait3A = arith.constant 0 : i32
      %dma_wait3A_20 = tpu.memref_slice %arg2[%mul3A_6, %dma_wait3A] : memref<163840x16xf32, #tpu.memory_space<hbm>> -> memref<5120x16xf32, #tpu.memory_space<hbm>>
      %dma_wait3A_21 = arith.constant 0 : i32
      %dma_wait3A_22 = tpu.memref_slice %arg2[%mul3A_6, %dma_wait3A_21] : memref<163840x16xf32, #tpu.memory_space<hbm>> -> memref<5120x16xf32, #tpu.memory_space<hbm>>
      tpu.wait_dma2 semaphore(%run_scoped3A : memref<!tpu.dma_semaphore, #tpu.memory_space<semaphore_mem>>) src(%dma_wait3A_22 : memref<5120x16xf32, #tpu.memory_space<hbm>>) dst(%arg7 : memref<5120x16xf32, #tpu.memory_space<vmem>>)
      tpu.yield
    }) : () -> ()
    %barrier3A = arith.constant 0 : index
    tpu.barrier barrier_id(%barrier3A)
    %scan3A = arith.constant 0 : i32
    %scan3A_7 = arith.constant 0 : i32
    %scan3A_8 = arith.constant 40 : i32
    %scan3A_9 = arith.addi %scan3A_7, %scan3A_8 : i32
    %scan3A_10 = arith.constant 1 : i32
    scf.for %scan3A_17 = %scan3A_7 to %scan3A_9 step %scan3A_10  : i32 {
      %mul3A_18 = arith.constant 128 : i32
      %mul3A_19 = arith.muli %scan3A_17, %mul3A_18 : i32
      "tpu.region"() ({
        %run_scoped3A = tpu.sem_alloc : memref<!tpu.dma_semaphore, #tpu.memory_space<semaphore_mem>>
        %dma_start3A = arith.constant 0 : i32
        %dma_start3A_20 = tpu.memref_slice %arg7[%mul3A_19, %dma_start3A] : memref<5120x16xf32, #tpu.memory_space<vmem>> -> memref<128x16xf32, #tpu.memory_space<vmem>>
        %dma_start3A_21 = arith.constant 0 : i32
        %dma_start3A_22 = tpu.memref_slice %arg6[%scan3A_17, %dma_start3A_21] : memref<40x128xi32, #tpu.memory_space<vmem>> -> memref<1x128xi32, #tpu.memory_space<vmem>>
        %dma_start3A_23 = tpu.memref_squeeze %dma_start3A_22 : memref<1x128xi32, #tpu.memory_space<vmem>> -> memref<128xi32, #tpu.memory_space<vmem>>
        %dma_start3A_24 = arith.constant 0 : i32
        %dma_start3A_25 = arith.constant 0 : i32
        %dma_start3A_26 = tpu.memref_slice %arg8[%dma_start3A_24, %dma_start3A_25] : memref<10240x16xf32, #tpu.memory_space<vmem_shared>> -> memref<10240x16xf32, #tpu.memory_space<vmem_shared>>
        tpu.enqueue_indirect_dma source(%dma_start3A_20 : memref<128x16xf32, #tpu.memory_space<vmem>>) target(%dma_start3A_26 : memref<10240x16xf32, #tpu.memory_space<vmem_shared>>) offsets(%dma_start3A_23 : memref<128xi32, #tpu.memory_space<vmem>>) semaphore(%run_scoped3A : memref<!tpu.dma_semaphore, #tpu.memory_space<semaphore_mem>>) {add = true}
        %dma_wait3A = arith.constant 0 : i32
        %dma_wait3A_27 = tpu.memref_slice %arg7[%mul3A_19, %dma_wait3A] : memref<5120x16xf32, #tpu.memory_space<vmem>> -> memref<128x16xf32, #tpu.memory_space<vmem>>
        %dma_wait3A_28 = arith.constant 0 : i32
        %dma_wait3A_29 = tpu.memref_slice %arg6[%scan3A_17, %dma_wait3A_28] : memref<40x128xi32, #tpu.memory_space<vmem>> -> memref<1x128xi32, #tpu.memory_space<vmem>>
        %dma_wait3A_30 = tpu.memref_squeeze %dma_wait3A_29 : memref<1x128xi32, #tpu.memory_space<vmem>> -> memref<128xi32, #tpu.memory_space<vmem>>
        %dma_wait3A_31 = arith.constant 0 : i32
        %dma_wait3A_32 = arith.constant 0 : i32
        %dma_wait3A_33 = tpu.memref_slice %arg8[%dma_wait3A_31, %dma_wait3A_32] : memref<10240x16xf32, #tpu.memory_space<vmem_shared>> -> memref<10240x16xf32, #tpu.memory_space<vmem_shared>>
        tpu.wait_indirect_dma semaphore(%run_scoped3A : memref<!tpu.dma_semaphore, #tpu.memory_space<semaphore_mem>>) src(%dma_wait3A_27 : memref<128x16xf32, #tpu.memory_space<vmem>>) dst(%dma_wait3A_33 : memref<10240x16xf32, #tpu.memory_space<vmem_shared>>)
        tpu.yield
      }) : () -> ()
    }
    %scan3A_11 = arith.constant 40 : i32
    %barrier3A_12 = arith.constant 0 : index
    tpu.barrier barrier_id(%barrier3A_12)
    %mul3A_13 = arith.constant 640 : i32
    %mul3A_14 = arith.muli %arg1, %mul3A_13 : i32
    %mul3A_15 = arith.constant 640 : i32
    %mul3A_16 = arith.muli %arg1, %mul3A_15 : i32
    "tpu.region"() ({
      %run_scoped3A = tpu.sem_alloc : memref<!tpu.dma_semaphore, #tpu.memory_space<semaphore_mem>>
      %dma_start3A = arith.constant 0 : i32
      %dma_start3A_17 = tpu.memref_slice %arg5[%arg0, %mul3A_16, %dma_start3A] : memref<2x10240x16xf32, #tpu.memory_space<hbm>> -> memref<1x640x16xf32, #tpu.memory_space<hbm>>
      %dma_start3A_18 = tpu.memref_squeeze %dma_start3A_17 : memref<1x640x16xf32, #tpu.memory_space<hbm>> -> memref<640x16xf32, #tpu.memory_space<hbm>>
      %dma_start3A_19 = arith.constant 0 : i32
      %dma_start3A_20 = tpu.memref_slice %arg8[%mul3A_14, %dma_start3A_19] : memref<10240x16xf32, #tpu.memory_space<vmem_shared>> -> memref<640x16xf32, #tpu.memory_space<vmem_shared>>
      tpu.enqueue_dma source(%dma_start3A_20 : memref<640x16xf32, #tpu.memory_space<vmem_shared>>) target(%dma_start3A_18 : memref<640x16xf32, #tpu.memory_space<hbm>>) target_semaphore(%run_scoped3A : memref<!tpu.dma_semaphore, #tpu.memory_space<semaphore_mem>>)
      %dma_wait3A = arith.constant 0 : i32
      %dma_wait3A_21 = tpu.memref_slice %arg5[%arg0, %mul3A_16, %dma_wait3A] : memref<2x10240x16xf32, #tpu.memory_space<hbm>> -> memref<1x640x16xf32, #tpu.memory_space<hbm>>
      %dma_wait3A_22 = tpu.memref_squeeze %dma_wait3A_21 : memref<1x640x16xf32, #tpu.memory_space<hbm>> -> memref<640x16xf32, #tpu.memory_space<hbm>>
      %dma_wait3A_23 = arith.constant 0 : i32
      %dma_wait3A_24 = tpu.memref_slice %arg8[%mul3A_14, %dma_wait3A_23] : memref<10240x16xf32, #tpu.memory_space<vmem_shared>> -> memref<640x16xf32, #tpu.memory_space<vmem_shared>>
      tpu.wait_dma2 semaphore(%run_scoped3A : memref<!tpu.dma_semaphore, #tpu.memory_space<semaphore_mem>>) src(%dma_wait3A_24 : memref<640x16xf32, #tpu.memory_space<vmem_shared>>) dst(%dma_wait3A_22 : memref<640x16xf32, #tpu.memory_space<hbm>>)
      tpu.yield
    }) : () -> ()
    return
  }
}

#map = affine_map<(d0, d1) -> (0, 0)>
module attributes {stable_mosaic.version = 14 : i64} {
  func.func @gather(%arg0: i32, %arg1: i32, %arg2: memref<10000x16xf32, #tpu.memory_space<hbm>>, %arg3: memref<1280x128xi32, #tpu.memory_space<hbm>>, %arg4: memref<163840x16xf32, #tpu.memory_space<hbm>>, %arg5: memref<40x128xi32, #tpu.memory_space<vmem>>, %arg6: memref<128x16xf32, #tpu.memory_space<vmem>>, %arg7: memref<!tpu.dma_semaphore, #tpu.memory_space<semaphore_mem>>) attributes {dimension_semantics = [#tpu.dimension_semantics<core_parallel>, #tpu.dimension_semantics<subcore_parallel>], iteration_bounds = array<i64: 2, 16>, scalar_prefetch = 0 : i64, scratch_operands = 3 : i64, tpu.core_type = #tpu.core_type<sc_vector_subcore>, window_params = [{transform_indices = #map}, {transform_indices = #map}, {transform_indices = #map}]} {
    %mul3A = arith.constant 2 : i32
    %mul3A_0 = arith.muli %arg1, %mul3A : i32
    %add3A = arith.addi %mul3A_0, %arg0 : i32
    %mul3A_1 = arith.constant 40 : i32
    %mul3A_2 = arith.muli %add3A, %mul3A_1 : i32
    "tpu.region"() ({
      %run_scoped3A = tpu.sem_alloc : memref<!tpu.dma_semaphore, #tpu.memory_space<semaphore_mem>>
      %dma_start3A = arith.constant 0 : i32
      %dma_start3A_8 = tpu.memref_slice %arg3[%mul3A_2, %dma_start3A] : memref<1280x128xi32, #tpu.memory_space<hbm>> -> memref<40x128xi32, #tpu.memory_space<hbm>>
      %dma_start3A_9 = arith.constant 0 : i32
      %dma_start3A_10 = tpu.memref_slice %arg3[%mul3A_2, %dma_start3A_9] : memref<1280x128xi32, #tpu.memory_space<hbm>> -> memref<40x128xi32, #tpu.memory_space<hbm>>
      tpu.enqueue_dma source(%dma_start3A_10 : memref<40x128xi32, #tpu.memory_space<hbm>>) target(%arg5 : memref<40x128xi32, #tpu.memory_space<vmem>>) target_semaphore(%run_scoped3A : memref<!tpu.dma_semaphore, #tpu.memory_space<semaphore_mem>>)
      %dma_wait3A = arith.constant 0 : i32
      %dma_wait3A_11 = tpu.memref_slice %arg3[%mul3A_2, %dma_wait3A] : memref<1280x128xi32, #tpu.memory_space<hbm>> -> memref<40x128xi32, #tpu.memory_space<hbm>>
      %dma_wait3A_12 = arith.constant 0 : i32
      %dma_wait3A_13 = tpu.memref_slice %arg3[%mul3A_2, %dma_wait3A_12] : memref<1280x128xi32, #tpu.memory_space<hbm>> -> memref<40x128xi32, #tpu.memory_space<hbm>>
      tpu.wait_dma2 semaphore(%run_scoped3A : memref<!tpu.dma_semaphore, #tpu.memory_space<semaphore_mem>>) src(%dma_wait3A_13 : memref<40x128xi32, #tpu.memory_space<hbm>>) dst(%arg5 : memref<40x128xi32, #tpu.memory_space<vmem>>)
      tpu.yield
    }) : () -> ()
    %scan3A = arith.constant 0 : i32
    %scan3A_3 = arith.constant 0 : i32
    %scan3A_4 = arith.constant 40 : i32
    %scan3A_5 = arith.addi %scan3A_3, %scan3A_4 : i32
    %scan3A_6 = arith.constant 1 : i32
    scf.for %scan3A_8 = %scan3A_3 to %scan3A_5 step %scan3A_6  : i32 {
      %dma_start3A = arith.constant 0 : i32
      %dma_start3A_9 = tpu.memref_slice %arg5[%scan3A_8, %dma_start3A] : memref<40x128xi32, #tpu.memory_space<vmem>> -> memref<1x128xi32, #tpu.memory_space<vmem>>
      %dma_start3A_10 = tpu.memref_squeeze %dma_start3A_9 : memref<1x128xi32, #tpu.memory_space<vmem>> -> memref<128xi32, #tpu.memory_space<vmem>>
      %dma_start3A_11 = arith.constant 0 : i32
      %dma_start3A_12 = arith.constant 0 : i32
      %dma_start3A_13 = tpu.memref_slice %arg2[%dma_start3A_11, %dma_start3A_12] : memref<10000x16xf32, #tpu.memory_space<hbm>> -> memref<10000x16xf32, #tpu.memory_space<hbm>>
      tpu.enqueue_indirect_dma source(%dma_start3A_13 : memref<10000x16xf32, #tpu.memory_space<hbm>>) target(%arg6 : memref<128x16xf32, #tpu.memory_space<vmem>>) offsets(%dma_start3A_10 : memref<128xi32, #tpu.memory_space<vmem>>) semaphore(%arg7 : memref<!tpu.dma_semaphore, #tpu.memory_space<semaphore_mem>>)
      %dma_wait3A = arith.constant 0 : i32
      %dma_wait3A_14 = tpu.memref_slice %arg5[%scan3A_8, %dma_wait3A] : memref<40x128xi32, #tpu.memory_space<vmem>> -> memref<1x128xi32, #tpu.memory_space<vmem>>
      %dma_wait3A_15 = tpu.memref_squeeze %dma_wait3A_14 : memref<1x128xi32, #tpu.memory_space<vmem>> -> memref<128xi32, #tpu.memory_space<vmem>>
      %dma_wait3A_16 = arith.constant 0 : i32
      %dma_wait3A_17 = arith.constant 0 : i32
      %dma_wait3A_18 = tpu.memref_slice %arg2[%dma_wait3A_16, %dma_wait3A_17] : memref<10000x16xf32, #tpu.memory_space<hbm>> -> memref<10000x16xf32, #tpu.memory_space<hbm>>
      tpu.wait_indirect_dma semaphore(%arg7 : memref<!tpu.dma_semaphore, #tpu.memory_space<semaphore_mem>>) src(%dma_wait3A_18 : memref<10000x16xf32, #tpu.memory_space<hbm>>) dst(%arg6 : memref<128x16xf32, #tpu.memory_space<vmem>>)
      %mul3A_19 = arith.constant 5120 : i32
      %mul3A_20 = arith.muli %add3A, %mul3A_19 : i32
      %mul3A_21 = arith.constant 128 : i32
      %mul3A_22 = arith.muli %scan3A_8, %mul3A_21 : i32
      %add3A_23 = arith.addi %mul3A_20, %mul3A_22 : i32
      "tpu.region"() ({
        %run_scoped3A = tpu.sem_alloc : memref<!tpu.dma_semaphore, #tpu.memory_space<semaphore_mem>>
        %dma_start3A_24 = arith.constant 0 : i32
        %dma_start3A_25 = tpu.memref_slice %arg4[%add3A_23, %dma_start3A_24] : memref<163840x16xf32, #tpu.memory_space<hbm>> -> memref<128x16xf32, #tpu.memory_space<hbm>>
        %dma_start3A_26 = arith.constant 0 : i32
        %dma_start3A_27 = tpu.memref_slice %arg4[%add3A_23, %dma_start3A_26] : memref<163840x16xf32, #tpu.memory_space<hbm>> -> memref<128x16xf32, #tpu.memory_space<hbm>>
        tpu.enqueue_dma source(%arg6 : memref<128x16xf32, #tpu.memory_space<vmem>>) target(%dma_start3A_27 : memref<128x16xf32, #tpu.memory_space<hbm>>) target_semaphore(%run_scoped3A : memref<!tpu.dma_semaphore, #tpu.memory_space<semaphore_mem>>)
        %dma_wait3A_28 = arith.constant 0 : i32
        %dma_wait3A_29 = tpu.memref_slice %arg4[%add3A_23, %dma_wait3A_28] : memref<163840x16xf32, #tpu.memory_space<hbm>> -> memref<128x16xf32, #tpu.memory_space<hbm>>
        %dma_wait3A_30 = arith.constant 0 : i32
        %dma_wait3A_31 = tpu.memref_slice %arg4[%add3A_23, %dma_wait3A_30] : memref<163840x16xf32, #tpu.memory_space<hbm>> -> memref<128x16xf32, #tpu.memory_space<hbm>>
        tpu.wait_dma2 semaphore(%run_scoped3A : memref<!tpu.dma_semaphore, #tpu.memory_space<semaphore_mem>>) src(%arg6 : memref<128x16xf32, #tpu.memory_space<vmem>>) dst(%dma_wait3A_31 : memref<128x16xf32, #tpu.memory_space<hbm>>)
        tpu.yield
      }) : () -> ()
    }
    %scan3A_7 = arith.constant 40 : i32
    return
  }
}

#map = affine_map<(d0, d1) -> (0, 0)>
#map1 = affine_map<(d0, d1) -> (0, 0, 0)>
module attributes {stable_mosaic.version = 14 : i64} {
  func.func @scatter(%arg0: i32, %arg1: i32, %arg2: memref<163840x16xf32, #tpu.memory_space<hbm>>, %arg3: memref<1280x128xi32, #tpu.memory_space<hbm>>, %arg4: memref<640x16xf32, #tpu.memory_space<hbm>>, %arg5: memref<2x10240x16xf32, #tpu.memory_space<hbm>>, %arg6: memref<40x128xi32, #tpu.memory_space<vmem>>, %arg7: memref<5120x16xf32, #tpu.memory_space<vmem>>, %arg8: memref<10240x16xf32, #tpu.memory_space<vmem_shared>>) attributes {dimension_semantics = [#tpu.dimension_semantics<core_parallel>, #tpu.dimension_semantics<subcore_parallel>], iteration_bounds = array<i64: 2, 16>, scalar_prefetch = 0 : i64, scratch_operands = 3 : i64, tpu.core_type = #tpu.core_type<sc_vector_subcore>, window_params = [{transform_indices = #map}, {transform_indices = #map}, {transform_indices = #map}, {transform_indices = #map1}]} {
    %mul3A = arith.constant 2 : i32
    %mul3A_0 = arith.muli %arg1, %mul3A : i32
    %add3A = arith.addi %mul3A_0, %arg0 : i32
    %mul3A_1 = arith.constant 640 : i32
    %mul3A_2 = arith.muli %arg1, %mul3A_1 : i32
    "tpu.region"() ({
      %run_scoped3A = tpu.sem_alloc : memref<!tpu.dma_semaphore, #tpu.memory_space<semaphore_mem>>
      %dma_start3A = arith.constant 0 : i32
      %dma_start3A_17 = tpu.memref_slice %arg8[%mul3A_2, %dma_start3A] : memref<10240x16xf32, #tpu.memory_space<vmem_shared>> -> memref<640x16xf32, #tpu.memory_space<vmem_shared>>
      tpu.enqueue_dma source(%arg4 : memref<640x16xf32, #tpu.memory_space<hbm>>) target(%dma_start3A_17 : memref<640x16xf32, #tpu.memory_space<vmem_shared>>) target_semaphore(%run_scoped3A : memref<!tpu.dma_semaphore, #tpu.memory_space<semaphore_mem>>)
      %dma_wait3A = arith.constant 0 : i32
      %dma_wait3A_18 = tpu.memref_slice %arg8[%mul3A_2, %dma_wait3A] : memref<10240x16xf32, #tpu.memory_space<vmem_shared>> -> memref<640x16xf32, #tpu.memory_space<vmem_shared>>
      tpu.wait_dma2 semaphore(%run_scoped3A : memref<!tpu.dma_semaphore, #tpu.memory_space<semaphore_mem>>) src(%arg4 : memref<640x16xf32, #tpu.memory_space<hbm>>) dst(%dma_wait3A_18 : memref<640x16xf32, #tpu.memory_space<vmem_shared>>)
      tpu.yield
    }) : () -> ()
    %mul3A_3 = arith.constant 40 : i32
    %mul3A_4 = arith.muli %add3A, %mul3A_3 : i32
    "tpu.region"() ({
      %run_scoped3A = tpu.sem_alloc : memref<!tpu.dma_semaphore, #tpu.memory_space<semaphore_mem>>
      %dma_start3A = arith.constant 0 : i32
      %dma_start3A_17 = tpu.memref_slice %arg3[%mul3A_4, %dma_start3A] : memref<1280x128xi32, #tpu.memory_space<hbm>> -> memref<40x128xi32, #tpu.memory_space<hbm>>
      %dma_start3A_18 = arith.constant 0 : i32
      %dma_start3A_19 = tpu.memref_slice %arg3[%mul3A_4, %dma_start3A_18] : memref<1280x128xi32, #tpu.memory_space<hbm>> -> memref<40x128xi32, #tpu.memory_space<hbm>>
      tpu.enqueue_dma source(%dma_start3A_19 : memref<40x128xi32, #tpu.memory_space<hbm>>) target(%arg6 : memref<40x128xi32, #tpu.memory_space<vmem>>) target_semaphore(%run_scoped3A : memref<!tpu.dma_semaphore, #tpu.memory_space<semaphore_mem>>)
      %dma_wait3A = arith.constant 0 : i32
      %dma_wait3A_20 = tpu.memref_slice %arg3[%mul3A_4, %dma_wait3A] : memref<1280x128xi32, #tpu.memory_space<hbm>> -> memref<40x128xi32, #tpu.memory_space<hbm>>
      %dma_wait3A_21 = arith.constant 0 : i32
      %dma_wait3A_22 = tpu.memref_slice %arg3[%mul3A_4, %dma_wait3A_21] : memref<1280x128xi32, #tpu.memory_space<hbm>> -> memref<40x128xi32, #tpu.memory_space<hbm>>
      tpu.wait_dma2 semaphore(%run_scoped3A : memref<!tpu.dma_semaphore, #tpu.memory_space<semaphore_mem>>) src(%dma_wait3A_22 : memref<40x128xi32, #tpu.memory_space<hbm>>) dst(%arg6 : memref<40x128xi32, #tpu.memory_space<vmem>>)
      tpu.yield
    }) : () -> ()
    %mul3A_5 = arith.constant 5120 : i32
    %mul3A_6 = arith.muli %add3A, %mul3A_5 : i32
    "tpu.region"() ({
      %run_scoped3A = tpu.sem_alloc : memref<!tpu.dma_semaphore, #tpu.memory_space<semaphore_mem>>
      %dma_start3A = arith.constant 0 : i32
      %dma_start3A_17 = tpu.memref_slice %arg2[%mul3A_6, %dma_start3A] : memref<163840x16xf32, #tpu.memory_space<hbm>> -> memref<5120x16xf32, #tpu.memory_space<hbm>>
      %dma_start3A_18 = arith.constant 0 : i32
      %dma_start3A_19 = tpu.memref_slice %arg2[%mul3A_6, %dma_start3A_18] : memref<163840x16xf32, #tpu.memory_space<hbm>> -> memref<5120x16xf32, #tpu.memory_space<hbm>>
      tpu.enqueue_dma source(%dma_start3A_19 : memref<5120x16xf32, #tpu.memory_space<hbm>>) target(%arg7 : memref<5120x16xf32, #tpu.memory_space<vmem>>) target_semaphore(%run_scoped3A : memref<!tpu.dma_semaphore, #tpu.memory_space<semaphore_mem>>)
      %dma_wait3A = arith.constant 0 : i32
      %dma_wait3A_20 = tpu.memref_slice %arg2[%mul3A_6, %dma_wait3A] : memref<163840x16xf32, #tpu.memory_space<hbm>> -> memref<5120x16xf32, #tpu.memory_space<hbm>>
      %dma_wait3A_21 = arith.constant 0 : i32
      %dma_wait3A_22 = tpu.memref_slice %arg2[%mul3A_6, %dma_wait3A_21] : memref<163840x16xf32, #tpu.memory_space<hbm>> -> memref<5120x16xf32, #tpu.memory_space<hbm>>
      tpu.wait_dma2 semaphore(%run_scoped3A : memref<!tpu.dma_semaphore, #tpu.memory_space<semaphore_mem>>) src(%dma_wait3A_22 : memref<5120x16xf32, #tpu.memory_space<hbm>>) dst(%arg7 : memref<5120x16xf32, #tpu.memory_space<vmem>>)
      tpu.yield
    }) : () -> ()
    %barrier3A = arith.constant 0 : index
    tpu.barrier barrier_id(%barrier3A)
    %scan3A = arith.constant 0 : i32
    %scan3A_7 = arith.constant 0 : i32
    %scan3A_8 = arith.constant 40 : i32
    %scan3A_9 = arith.addi %scan3A_7, %scan3A_8 : i32
    %scan3A_10 = arith.constant 1 : i32
    scf.for %scan3A_17 = %scan3A_7 to %scan3A_9 step %scan3A_10  : i32 {
      %mul3A_18 = arith.constant 128 : i32
      %mul3A_19 = arith.muli %scan3A_17, %mul3A_18 : i32
      "tpu.region"() ({
        %run_scoped3A = tpu.sem_alloc : memref<!tpu.dma_semaphore, #tpu.memory_space<semaphore_mem>>
        %dma_start3A = arith.constant 0 : i32
        %dma_start3A_20 = tpu.memref_slice %arg7[%mul3A_19, %dma_start3A] : memref<5120x16xf32, #tpu.memory_space<vmem>> -> memref<128x16xf32, #tpu.memory_space<vmem>>
        %dma_start3A_21 = arith.constant 0 : i32
        %dma_start3A_22 = tpu.memref_slice %arg6[%scan3A_17, %dma_start3A_21] : memref<40x128xi32, #tpu.memory_space<vmem>> -> memref<1x128xi32, #tpu.memory_space<vmem>>
        %dma_start3A_23 = tpu.memref_squeeze %dma_start3A_22 : memref<1x128xi32, #tpu.memory_space<vmem>> -> memref<128xi32, #tpu.memory_space<vmem>>
        %dma_start3A_24 = arith.constant 0 : i32
        %dma_start3A_25 = arith.constant 0 : i32
        %dma_start3A_26 = tpu.memref_slice %arg8[%dma_start3A_24, %dma_start3A_25] : memref<10240x16xf32, #tpu.memory_space<vmem_shared>> -> memref<10240x16xf32, #tpu.memory_space<vmem_shared>>
        tpu.enqueue_indirect_dma source(%dma_start3A_20 : memref<128x16xf32, #tpu.memory_space<vmem>>) target(%dma_start3A_26 : memref<10240x16xf32, #tpu.memory_space<vmem_shared>>) offsets(%dma_start3A_23 : memref<128xi32, #tpu.memory_space<vmem>>) semaphore(%run_scoped3A : memref<!tpu.dma_semaphore, #tpu.memory_space<semaphore_mem>>) {add = true}
        %dma_wait3A = arith.constant 0 : i32
        %dma_wait3A_27 = tpu.memref_slice %arg7[%mul3A_19, %dma_wait3A] : memref<5120x16xf32, #tpu.memory_space<vmem>> -> memref<128x16xf32, #tpu.memory_space<vmem>>
        %dma_wait3A_28 = arith.constant 0 : i32
        %dma_wait3A_29 = tpu.memref_slice %arg6[%scan3A_17, %dma_wait3A_28] : memref<40x128xi32, #tpu.memory_space<vmem>> -> memref<1x128xi32, #tpu.memory_space<vmem>>
        %dma_wait3A_30 = tpu.memref_squeeze %dma_wait3A_29 : memref<1x128xi32, #tpu.memory_space<vmem>> -> memref<128xi32, #tpu.memory_space<vmem>>
        %dma_wait3A_31 = arith.constant 0 : i32
        %dma_wait3A_32 = arith.constant 0 : i32
        %dma_wait3A_33 = tpu.memref_slice %arg8[%dma_wait3A_31, %dma_wait3A_32] : memref<10240x16xf32, #tpu.memory_space<vmem_shared>> -> memref<10240x16xf32, #tpu.memory_space<vmem_shared>>
        tpu.wait_indirect_dma semaphore(%run_scoped3A : memref<!tpu.dma_semaphore, #tpu.memory_space<semaphore_mem>>) src(%dma_wait3A_27 : memref<128x16xf32, #tpu.memory_space<vmem>>) dst(%dma_wait3A_33 : memref<10240x16xf32, #tpu.memory_space<vmem_shared>>)
        tpu.yield
      }) : () -> ()
    }
    %scan3A_11 = arith.constant 40 : i32
    %barrier3A_12 = arith.constant 0 : index
    tpu.barrier barrier_id(%barrier3A_12)
    %mul3A_13 = arith.constant 640 : i32
    %mul3A_14 = arith.muli %arg1, %mul3A_13 : i32
    %mul3A_15 = arith.constant 640 : i32
    %mul3A_16 = arith.muli %arg1, %mul3A_15 : i32
    "tpu.region"() ({
      %run_scoped3A = tpu.sem_alloc : memref<!tpu.dma_semaphore, #tpu.memory_space<semaphore_mem>>
      %dma_start3A = arith.constant 0 : i32
      %dma_start3A_17 = tpu.memref_slice %arg5[%arg0, %mul3A_16, %dma_start3A] : memref<2x10240x16xf32, #tpu.memory_space<hbm>> -> memref<1x640x16xf32, #tpu.memory_space<hbm>>
      %dma_start3A_18 = tpu.memref_squeeze %dma_start3A_17 : memref<1x640x16xf32, #tpu.memory_space<hbm>> -> memref<640x16xf32, #tpu.memory_space<hbm>>
      %dma_start3A_19 = arith.constant 0 : i32
      %dma_start3A_20 = tpu.memref_slice %arg8[%mul3A_14, %dma_start3A_19] : memref<10240x16xf32, #tpu.memory_space<vmem_shared>> -> memref<640x16xf32, #tpu.memory_space<vmem_shared>>
      tpu.enqueue_dma source(%dma_start3A_20 : memref<640x16xf32, #tpu.memory_space<vmem_shared>>) target(%dma_start3A_18 : memref<640x16xf32, #tpu.memory_space<hbm>>) target_semaphore(%run_scoped3A : memref<!tpu.dma_semaphore, #tpu.memory_space<semaphore_mem>>)
      %dma_wait3A = arith.constant 0 : i32
      %dma_wait3A_21 = tpu.memref_slice %arg5[%arg0, %mul3A_16, %dma_wait3A] : memref<2x10240x16xf32, #tpu.memory_space<hbm>> -> memref<1x640x16xf32, #tpu.memory_space<hbm>>
      %dma_wait3A_22 = tpu.memref_squeeze %dma_wait3A_21 : memref<1x640x16xf32, #tpu.memory_space<hbm>> -> memref<640x16xf32, #tpu.memory_space<hbm>>
      %dma_wait3A_23 = arith.constant 0 : i32
      %dma_wait3A_24 = tpu.memref_slice %arg8[%mul3A_14, %dma_wait3A_23] : memref<10240x16xf32, #tpu.memory_space<vmem_shared>> -> memref<640x16xf32, #tpu.memory_space<vmem_shared>>
      tpu.wait_dma2 semaphore(%run_scoped3A : memref<!tpu.dma_semaphore, #tpu.memory_space<semaphore_mem>>) src(%dma_wait3A_24 : memref<640x16xf32, #tpu.memory_space<vmem_shared>>) dst(%dma_wait3A_22 : memref<640x16xf32, #tpu.memory_space<hbm>>)
      tpu.yield
    }) : () -> ()
    return
  }
}

module attributes {stable_mosaic.version = 14 : i64} {
  func.func @_msg_body(%arg0: i32, %arg1: memref<640x4xf32, #tpu.memory_space<vmem>>, %arg2: memref<640x128xf32, #tpu.memory_space<vmem>>, %arg3: memref<4x2048xf32, #tpu.memory_space<vmem>>, %arg4: memref<1x2048xf32, #tpu.memory_space<vmem>>, %arg5: memref<128x2048xbf16, #tpu.memory_space<vmem>>, %arg6: memref<2048x16xbf16, #tpu.memory_space<vmem>>, %arg7: memref<80x128xf32, #tpu.memory_space<vmem>>) attributes {dimension_semantics = [#tpu.dimension_semantics<arbitrary>], iteration_bounds = array<i64: 250>, scalar_prefetch = 0 : i64, scratch_operands = 0 : i64, tpu.core_type = #tpu.core_type<tc>, window_params = [{transform_indices = @transform_0, window_bounds = array<i64: 640, 4>}, {transform_indices = @transform_1, window_bounds = array<i64: 640, 128>}, {pipeline_mode = #tpu.pipeline_mode<synchronous>, transform_indices = @transform_2, window_bounds = array<i64: 4, 2048>}, {pipeline_mode = #tpu.pipeline_mode<synchronous>, transform_indices = @transform_3, window_bounds = array<i64: 1, 2048>}, {pipeline_mode = #tpu.pipeline_mode<synchronous>, transform_indices = @transform_4, window_bounds = array<i64: 128, 2048>}, {pipeline_mode = #tpu.pipeline_mode<synchronous>, transform_indices = @transform_5, window_bounds = array<i64: 2048, 16>}, {transform_indices = @transform_6, window_bounds = array<i64: 80, 128>}]} {
    %get3A = arith.constant 0 : index
    %get3A_0 = arith.constant 0 : index
    %get3A_1 = vector.load %arg1[%get3A, %get3A_0] : memref<640x4xf32, #tpu.memory_space<vmem>>, vector<640x4xf32>
    %get3A_2 = arith.constant 0 : index
    %get3A_3 = arith.constant 0 : index
    %get3A_4 = vector.load %arg3[%get3A_2, %get3A_3] : memref<4x2048xf32, #tpu.memory_space<vmem>>, vector<4x2048xf32>
    %dot_general3A = arith.constant dense<0.000000e+00> : vector<640x2048xf32>
    %dot_general3A_5 = tpu.matmul %get3A_1, %get3A_4, %dot_general3A {dimension_numbers = #tpu.dot_dimension_numbers<[1], [0], [0], [1], [0, 0, 1, 1], [], []>, transpose_lhs_hint = false} : vector<640x4xf32>, vector<4x2048xf32>, vector<640x2048xf32> -> vector<640x2048xf32>
    %get3A_6 = arith.constant 0 : index
    %get3A_7 = arith.constant 0 : index
    %get3A_8 = vector.load %arg4[%get3A_6, %get3A_7] : memref<1x2048xf32, #tpu.memory_space<vmem>>, vector<1x2048xf32>
    %add3A = vector.broadcast %get3A_8 : vector<1x2048xf32> to vector<640x2048xf32>
    %add3A_9 = arith.addf %dot_general3A_5, %add3A : vector<640x2048xf32>
    %max3A = arith.constant 0.000000e+00 : f32
    %max3A_10 = vector.broadcast %max3A : f32 to vector<640x2048xf32>
    %max3A_11 = arith.maximumf %add3A_9, %max3A_10 : vector<640x2048xf32>
    %get3A_12 = arith.constant 0 : index
    %get3A_13 = arith.constant 0 : index
    %get3A_14 = vector.load %arg2[%get3A_12, %get3A_13] : memref<640x128xf32, #tpu.memory_space<vmem>>, vector<640x128xf32>
    %convert_element_type3A = arith.truncf %get3A_14 : vector<640x128xf32> to vector<640x128xbf16>
    %convert_element_type3A_15 = arith.extf %convert_element_type3A : vector<640x128xbf16> to vector<640x128xf32>
    %concatenate3A = tpu.concatenate %convert_element_type3A_15, %convert_element_type3A_15, %convert_element_type3A_15, %convert_element_type3A_15, %convert_element_type3A_15, %convert_element_type3A_15, %convert_element_type3A_15, %convert_element_type3A_15, %convert_element_type3A_15, %convert_element_type3A_15, %convert_element_type3A_15, %convert_element_type3A_15, %convert_element_type3A_15, %convert_element_type3A_15, %convert_element_type3A_15, %convert_element_type3A_15 in 1 : vector<640x128xf32>, vector<640x128xf32>, vector<640x128xf32>, vector<640x128xf32>, vector<640x128xf32>, vector<640x128xf32>, vector<640x128xf32>, vector<640x128xf32>, vector<640x128xf32>, vector<640x128xf32>, vector<640x128xf32>, vector<640x128xf32>, vector<640x128xf32>, vector<640x128xf32>, vector<640x128xf32>, vector<640x128xf32> -> vector<640x2048xf32>
    %convert_element_type3A_16 = arith.truncf %max3A_11 : vector<640x2048xf32> to vector<640x2048xbf16>
    %convert_element_type3A_17 = arith.extf %convert_element_type3A_16 : vector<640x2048xbf16> to vector<640x2048xf32>
    %mul3A = arith.mulf %convert_element_type3A_17, %concatenate3A : vector<640x2048xf32>
    %get3A_18 = arith.constant 0 : index
    %get3A_19 = arith.constant 0 : index
    %get3A_20 = vector.load %arg6[%get3A_18, %get3A_19] : memref<2048x16xbf16, #tpu.memory_space<vmem>>, vector<2048x16xbf16>
    %bitcast_convert_type3A = tpu.bitcast %mul3A : vector<640x2048xf32> -> vector<640x2048xi32>
    %and3A = arith.constant -65536 : i32
    %and3A_21 = vector.broadcast %and3A : i32 to vector<640x2048xi32>
    %and3A_22 = arith.andi %bitcast_convert_type3A, %and3A_21 : vector<640x2048xi32>
    %bitcast_convert_type3A_23 = tpu.bitcast %and3A_22 : vector<640x2048xi32> -> vector<640x2048xf32>
    %sub3A = arith.subf %mul3A, %bitcast_convert_type3A_23 : vector<640x2048xf32>
    %dot_general3A_24 = arith.constant dense<0.000000e+00> : vector<640x16xf32>
    %dot_general3A_25 = tpu.matmul %bitcast_convert_type3A_23, %get3A_20, %dot_general3A_24 {dimension_numbers = #tpu.dot_dimension_numbers<[1], [0], [0], [1], [0, 0, 1, 1], [], []>, transpose_lhs_hint = false} : vector<640x2048xf32>, vector<2048x16xbf16>, vector<640x16xf32> -> vector<640x16xf32>
    %dot_general3A_26 = arith.constant dense<0.000000e+00> : vector<640x16xf32>
    %dot_general3A_27 = tpu.matmul %sub3A, %get3A_20, %dot_general3A_26 {dimension_numbers = #tpu.dot_dimension_numbers<[1], [0], [0], [1], [0, 0, 1, 1], [], []>, transpose_lhs_hint = false} : vector<640x2048xf32>, vector<2048x16xbf16>, vector<640x16xf32> -> vector<640x16xf32>
    %add3A_28 = arith.addf %dot_general3A_25, %dot_general3A_27 : vector<640x16xf32>
    %slice3A = vector.extract_strided_slice %add3A_28 {offsets = [0, 0], sizes = [80, 16], strides = [1, 1]} : vector<640x16xf32> to vector<80x16xf32>
    %slice3A_29 = vector.extract_strided_slice %add3A_28 {offsets = [80, 0], sizes = [80, 16], strides = [1, 1]} : vector<640x16xf32> to vector<80x16xf32>
    %slice3A_30 = vector.extract_strided_slice %add3A_28 {offsets = [160, 0], sizes = [80, 16], strides = [1, 1]} : vector<640x16xf32> to vector<80x16xf32>
    %slice3A_31 = vector.extract_strided_slice %add3A_28 {offsets = [240, 0], sizes = [80, 16], strides = [1, 1]} : vector<640x16xf32> to vector<80x16xf32>
    %slice3A_32 = vector.extract_strided_slice %add3A_28 {offsets = [320, 0], sizes = [80, 16], strides = [1, 1]} : vector<640x16xf32> to vector<80x16xf32>
    %slice3A_33 = vector.extract_strided_slice %add3A_28 {offsets = [400, 0], sizes = [80, 16], strides = [1, 1]} : vector<640x16xf32> to vector<80x16xf32>
    %slice3A_34 = vector.extract_strided_slice %add3A_28 {offsets = [480, 0], sizes = [80, 16], strides = [1, 1]} : vector<640x16xf32> to vector<80x16xf32>
    %slice3A_35 = vector.extract_strided_slice %add3A_28 {offsets = [560, 0], sizes = [80, 16], strides = [1, 1]} : vector<640x16xf32> to vector<80x16xf32>
    %concatenate3A_36 = tpu.concatenate %slice3A, %slice3A_29, %slice3A_30, %slice3A_31, %slice3A_32, %slice3A_33, %slice3A_34, %slice3A_35 in 1 : vector<80x16xf32>, vector<80x16xf32>, vector<80x16xf32>, vector<80x16xf32>, vector<80x16xf32>, vector<80x16xf32>, vector<80x16xf32>, vector<80x16xf32> -> vector<80x128xf32>
    %swap3A = arith.constant 0 : index
    %swap3A_37 = arith.constant 0 : index
    %swap3A_38 = vector.load %arg7[%swap3A, %swap3A_37] : memref<80x128xf32, #tpu.memory_space<vmem>>, vector<80x128xf32>
    tpu.vector_store %arg7[%swap3A, %swap3A_37], %concatenate3A_36 {strides = array<i32>} : memref<80x128xf32, #tpu.memory_space<vmem>>, vector<80x128xf32>,
    return
  }
  func.func @transform_0(%arg0: i32) -> (i32, i32) {
    %c0_i32 = arith.constant 0 : i32
    %c0_i32_0 = arith.constant 0 : i32
    return %arg0, %c0_i32 : i32, i32
  }
  func.func @transform_1(%arg0: i32) -> (i32, i32) {
    %c0_i32 = arith.constant 0 : i32
    %c0_i32_0 = arith.constant 0 : i32
    return %arg0, %c0_i32 : i32, i32
  }
  func.func @transform_2(%arg0: i32) -> (i32, i32) {
    %c0_i32 = arith.constant 0 : i32
    %c0_i32_0 = arith.constant 0 : i32
    %c0_i32_1 = arith.constant 0 : i32
    return %c0_i32, %c0_i32_0 : i32, i32
  }
  func.func @transform_3(%arg0: i32) -> (i32, i32) {
    %c0_i32 = arith.constant 0 : i32
    %c0_i32_0 = arith.constant 0 : i32
    %c0_i32_1 = arith.constant 0 : i32
    return %c0_i32, %c0_i32_0 : i32, i32
  }
  func.func @transform_4(%arg0: i32) -> (i32, i32) {
    %c0_i32 = arith.constant 0 : i32
    %c0_i32_0 = arith.constant 0 : i32
    %c0_i32_1 = arith.constant 0 : i32
    return %c0_i32, %c0_i32_0 : i32, i32
  }
  func.func @transform_5(%arg0: i32) -> (i32, i32) {
    %c0_i32 = arith.constant 0 : i32
    %c0_i32_0 = arith.constant 0 : i32
    %c0_i32_1 = arith.constant 0 : i32
    return %c0_i32, %c0_i32_0 : i32, i32
  }
  func.func @transform_6(%arg0: i32) -> (i32, i32) {
    %c0_i32 = arith.constant 0 : i32
    %c0_i32_0 = arith.constant 0 : i32
    return %arg0, %c0_i32 : i32, i32
  }
}

module attributes {stable_mosaic.version = 14 : i64} {
  func.func @_update_body(%arg0: memref<2x10240x16xf32, #tpu.memory_space<vmem>>, %arg1: memref<2x10240x16xf32, #tpu.memory_space<vmem>>, %arg2: memref<10000x128xf32, #tpu.memory_space<vmem>>, %arg3: memref<128x16xf32, #tpu.memory_space<vmem>>, %arg4: memref<1x16xf32, #tpu.memory_space<vmem>>, %arg5: memref<10000x16xf32, #tpu.memory_space<vmem>>) attributes {dimension_semantics = [], scalar_prefetch = 0 : i64, scratch_operands = 0 : i64, tpu.core_type = #tpu.core_type<tc>} {
    %get3A = arith.constant 0 : index
    %get3A_0 = arith.constant 0 : index
    %get3A_1 = arith.constant 0 : index
    %get3A_2 = vector.load %arg0[%get3A, %get3A_0, %get3A_1] : memref<2x10240x16xf32, #tpu.memory_space<vmem>>, vector<1x10240x16xf32>
    %get3A_3 = vector.shape_cast %get3A_2 : vector<1x10240x16xf32> to vector<10240x16xf32>
    %get3A_4 = arith.constant 1 : index
    %get3A_5 = arith.constant 0 : index
    %get3A_6 = arith.constant 0 : index
    %get3A_7 = vector.load %arg0[%get3A_4, %get3A_5, %get3A_6] : memref<2x10240x16xf32, #tpu.memory_space<vmem>>, vector<1x10240x16xf32>
    %get3A_8 = vector.shape_cast %get3A_7 : vector<1x10240x16xf32> to vector<10240x16xf32>
    %add3A = arith.addf %get3A_3, %get3A_8 : vector<10240x16xf32>
    %slice3A = vector.extract_strided_slice %add3A {offsets = [0, 0], sizes = [10000, 16], strides = [1, 1]} : vector<10240x16xf32> to vector<10000x16xf32>
    %get3A_9 = arith.constant 0 : index
    %get3A_10 = arith.constant 0 : index
    %get3A_11 = arith.constant 0 : index
    %get3A_12 = vector.load %arg1[%get3A_9, %get3A_10, %get3A_11] : memref<2x10240x16xf32, #tpu.memory_space<vmem>>, vector<1x10240x16xf32>
    %get3A_13 = vector.shape_cast %get3A_12 : vector<1x10240x16xf32> to vector<10240x16xf32>
    %get3A_14 = arith.constant 1 : index
    %get3A_15 = arith.constant 0 : index
    %get3A_16 = arith.constant 0 : index
    %get3A_17 = vector.load %arg1[%get3A_14, %get3A_15, %get3A_16] : memref<2x10240x16xf32, #tpu.memory_space<vmem>>, vector<1x10240x16xf32>
    %get3A_18 = vector.shape_cast %get3A_17 : vector<1x10240x16xf32> to vector<10240x16xf32>
    %add3A_19 = arith.addf %get3A_13, %get3A_18 : vector<10240x16xf32>
    %slice3A_20 = vector.extract_strided_slice %add3A_19 {offsets = [0, 0], sizes = [10000, 16], strides = [1, 1]} : vector<10240x16xf32> to vector<10000x16xf32>
    %max3A = arith.constant 1.000000e+00 : f32
    %max3A_21 = vector.broadcast %max3A : f32 to vector<10000x16xf32>
    %max3A_22 = arith.maximumf %slice3A_20, %max3A_21 : vector<10000x16xf32>
    %get3A_23 = arith.constant 0 : index
    %get3A_24 = arith.constant 0 : index
    %get3A_25 = vector.load %arg2[%get3A_23, %get3A_24] : memref<10000x128xf32, #tpu.memory_space<vmem>>, vector<10000x128xf32>
    %div3A = arith.divf %slice3A, %max3A_22 : vector<10000x16xf32>
    %get3A_26 = arith.constant 0 : index
    %get3A_27 = arith.constant 0 : index
    %get3A_28 = vector.load %arg3[%get3A_26, %get3A_27] : memref<128x16xf32, #tpu.memory_space<vmem>>, vector<128x16xf32>
    %dot_general3A = arith.constant dense<0.000000e+00> : vector<10000x16xf32>
    %dot_general3A_29 = tpu.matmul %get3A_25, %get3A_28, %dot_general3A {dimension_numbers = #tpu.dot_dimension_numbers<[1], [0], [0], [1], [0, 0, 1, 1], [], []>, transpose_lhs_hint = false} : vector<10000x128xf32>, vector<128x16xf32>, vector<10000x16xf32> -> vector<10000x16xf32>
    %add3A_30 = arith.addf %div3A, %dot_general3A_29 : vector<10000x16xf32>
    %get3A_31 = arith.constant 0 : index
    %get3A_32 = arith.constant 0 : index
    %get3A_33 = vector.load %arg4[%get3A_31, %get3A_32] : memref<1x16xf32, #tpu.memory_space<vmem>>, vector<1x16xf32>
    %add3A_34 = vector.broadcast %get3A_33 : vector<1x16xf32> to vector<10000x16xf32>
    %add3A_35 = arith.addf %add3A_30, %add3A_34 : vector<10000x16xf32>
    %max3A_36 = arith.constant 0.000000e+00 : f32
    %max3A_37 = vector.broadcast %max3A_36 : f32 to vector<10000x16xf32>
    %max3A_38 = arith.maximumf %add3A_35, %max3A_37 : vector<10000x16xf32>
    %swap3A = arith.constant 0 : index
    %swap3A_39 = arith.constant 0 : index
    %swap3A_40 = vector.load %arg5[%swap3A, %swap3A_39] : memref<10000x16xf32, #tpu.memory_space<vmem>>, vector<10000x16xf32>
    tpu.vector_store %arg5[%swap3A, %swap3A_39], %max3A_38 {strides = array<i32>} : memref<10000x16xf32, #tpu.memory_space<vmem>>, vector<10000x16xf32>,
    return
  }
}

module attributes {stable_mosaic.version = 14 : i64} {
  func.func @_msg_body(%arg0: i32, %arg1: memref<3200x4xf32, #tpu.memory_space<vmem>>, %arg2: memref<400x128xf32, #tpu.memory_space<vmem>>, %arg3: memref<4x256xf32, #tpu.memory_space<vmem>>, %arg4: memref<1x256xf32, #tpu.memory_space<vmem>>, %arg5: memref<16x256xbf16, #tpu.memory_space<vmem>>, %arg6: memref<256x16xbf16, #tpu.memory_space<vmem>>, %arg7: memref<400x128xf32, #tpu.memory_space<vmem>>) attributes {dimension_semantics = [#tpu.dimension_semantics<arbitrary>], iteration_bounds = array<i64: 50>, scalar_prefetch = 0 : i64, scratch_operands = 0 : i64, tpu.core_type = #tpu.core_type<tc>, window_params = [{transform_indices = @transform_0, window_bounds = array<i64: 3200, 4>}, {transform_indices = @transform_1, window_bounds = array<i64: 400, 128>}, {pipeline_mode = #tpu.pipeline_mode<synchronous>, transform_indices = @transform_2, window_bounds = array<i64: 4, 256>}, {pipeline_mode = #tpu.pipeline_mode<synchronous>, transform_indices = @transform_3, window_bounds = array<i64: 1, 256>}, {pipeline_mode = #tpu.pipeline_mode<synchronous>, transform_indices = @transform_4, window_bounds = array<i64: 16, 256>}, {pipeline_mode = #tpu.pipeline_mode<synchronous>, transform_indices = @transform_5, window_bounds = array<i64: 256, 16>}, {transform_indices = @transform_6, window_bounds = array<i64: 400, 128>}]} {
    %get3A = arith.constant 0 : index
    %get3A_0 = arith.constant 0 : index
    %get3A_1 = vector.load %arg1[%get3A, %get3A_0] : memref<3200x4xf32, #tpu.memory_space<vmem>>, vector<3200x4xf32>
    %get3A_2 = arith.constant 0 : index
    %get3A_3 = arith.constant 0 : index
    %get3A_4 = vector.load %arg3[%get3A_2, %get3A_3] : memref<4x256xf32, #tpu.memory_space<vmem>>, vector<4x256xf32>
    %dot_general3A = arith.constant dense<0.000000e+00> : vector<3200x256xf32>
    %dot_general3A_5 = tpu.matmul %get3A_1, %get3A_4, %dot_general3A {dimension_numbers = #tpu.dot_dimension_numbers<[1], [0], [0], [1], [0, 0, 1, 1], [], []>, transpose_lhs_hint = false} : vector<3200x4xf32>, vector<4x256xf32>, vector<3200x256xf32> -> vector<3200x256xf32>
    %get3A_6 = arith.constant 0 : index
    %get3A_7 = arith.constant 0 : index
    %get3A_8 = vector.load %arg4[%get3A_6, %get3A_7] : memref<1x256xf32, #tpu.memory_space<vmem>>, vector<1x256xf32>
    %add3A = vector.broadcast %get3A_8 : vector<1x256xf32> to vector<3200x256xf32>
    %add3A_9 = arith.addf %dot_general3A_5, %add3A : vector<3200x256xf32>
    %max3A = arith.constant 0.000000e+00 : f32
    %max3A_10 = vector.broadcast %max3A : f32 to vector<3200x256xf32>
    %max3A_11 = arith.maximumf %add3A_9, %max3A_10 : vector<3200x256xf32>
    %get3A_12 = arith.constant 0 : index
    %get3A_13 = arith.constant 0 : index
    %get3A_14 = vector.load %arg2[%get3A_12, %get3A_13] : memref<400x128xf32, #tpu.memory_space<vmem>>, vector<400x128xf32>
    %slice3A = vector.extract_strided_slice %get3A_14 {offsets = [0, 0], sizes = [400, 16], strides = [1, 1]} : vector<400x128xf32> to vector<400x16xf32>
    %slice3A_15 = vector.extract_strided_slice %get3A_14 {offsets = [0, 16], sizes = [400, 16], strides = [1, 1]} : vector<400x128xf32> to vector<400x16xf32>
    %slice3A_16 = vector.extract_strided_slice %get3A_14 {offsets = [0, 32], sizes = [400, 16], strides = [1, 1]} : vector<400x128xf32> to vector<400x16xf32>
    %slice3A_17 = vector.extract_strided_slice %get3A_14 {offsets = [0, 48], sizes = [400, 16], strides = [1, 1]} : vector<400x128xf32> to vector<400x16xf32>
    %slice3A_18 = vector.extract_strided_slice %get3A_14 {offsets = [0, 64], sizes = [400, 16], strides = [1, 1]} : vector<400x128xf32> to vector<400x16xf32>
    %slice3A_19 = vector.extract_strided_slice %get3A_14 {offsets = [0, 80], sizes = [400, 16], strides = [1, 1]} : vector<400x128xf32> to vector<400x16xf32>
    %slice3A_20 = vector.extract_strided_slice %get3A_14 {offsets = [0, 96], sizes = [400, 16], strides = [1, 1]} : vector<400x128xf32> to vector<400x16xf32>
    %slice3A_21 = vector.extract_strided_slice %get3A_14 {offsets = [0, 112], sizes = [400, 16], strides = [1, 1]} : vector<400x128xf32> to vector<400x16xf32>
    %concatenate3A = tpu.concatenate %slice3A, %slice3A_15, %slice3A_16, %slice3A_17, %slice3A_18, %slice3A_19, %slice3A_20, %slice3A_21 in 0 : vector<400x16xf32>, vector<400x16xf32>, vector<400x16xf32>, vector<400x16xf32>, vector<400x16xf32>, vector<400x16xf32>, vector<400x16xf32>, vector<400x16xf32> -> vector<3200x16xf32>
    %get3A_22 = arith.constant 0 : index
    %get3A_23 = arith.constant 0 : index
    %get3A_24 = vector.load %arg5[%get3A_22, %get3A_23] : memref<16x256xbf16, #tpu.memory_space<vmem>>, vector<16x256xbf16>
    %dot_general3A_25 = arith.constant dense<0.000000e+00> : vector<3200x256xf32>
    %dot_general3A_26 = tpu.matmul %concatenate3A, %get3A_24, %dot_general3A_25 {dimension_numbers = #tpu.dot_dimension_numbers<[1], [0], [0], [1], [0, 0, 1, 1], [], []>, transpose_lhs_hint = false} : vector<3200x16xf32>, vector<16x256xbf16>, vector<3200x256xf32> -> vector<3200x256xf32>
    %convert_element_type3A = arith.truncf %max3A_11 : vector<3200x256xf32> to vector<3200x256xbf16>
    %convert_element_type3A_27 = arith.extf %convert_element_type3A : vector<3200x256xbf16> to vector<3200x256xf32>
    %mul3A = arith.mulf %convert_element_type3A_27, %dot_general3A_26 : vector<3200x256xf32>
    %get3A_28 = arith.constant 0 : index
    %get3A_29 = arith.constant 0 : index
    %get3A_30 = vector.load %arg6[%get3A_28, %get3A_29] : memref<256x16xbf16, #tpu.memory_space<vmem>>, vector<256x16xbf16>
    %bitcast_convert_type3A = tpu.bitcast %mul3A : vector<3200x256xf32> -> vector<3200x256xi32>
    %and3A = arith.constant -65536 : i32
    %and3A_31 = vector.broadcast %and3A : i32 to vector<3200x256xi32>
    %and3A_32 = arith.andi %bitcast_convert_type3A, %and3A_31 : vector<3200x256xi32>
    %bitcast_convert_type3A_33 = tpu.bitcast %and3A_32 : vector<3200x256xi32> -> vector<3200x256xf32>
    %sub3A = arith.subf %mul3A, %bitcast_convert_type3A_33 : vector<3200x256xf32>
    %dot_general3A_34 = arith.constant dense<0.000000e+00> : vector<3200x16xf32>
    %dot_general3A_35 = tpu.matmul %bitcast_convert_type3A_33, %get3A_30, %dot_general3A_34 {dimension_numbers = #tpu.dot_dimension_numbers<[1], [0], [0], [1], [0, 0, 1, 1], [], []>, transpose_lhs_hint = false} : vector<3200x256xf32>, vector<256x16xbf16>, vector<3200x16xf32> -> vector<3200x16xf32>
    %dot_general3A_36 = arith.constant dense<0.000000e+00> : vector<3200x16xf32>
    %dot_general3A_37 = tpu.matmul %sub3A, %get3A_30, %dot_general3A_36 {dimension_numbers = #tpu.dot_dimension_numbers<[1], [0], [0], [1], [0, 0, 1, 1], [], []>, transpose_lhs_hint = false} : vector<3200x256xf32>, vector<256x16xbf16>, vector<3200x16xf32> -> vector<3200x16xf32>
    %add3A_38 = arith.addf %dot_general3A_35, %dot_general3A_37 : vector<3200x16xf32>
    %slice3A_39 = vector.extract_strided_slice %add3A_38 {offsets = [0, 0], sizes = [400, 16], strides = [1, 1]} : vector<3200x16xf32> to vector<400x16xf32>
    %slice3A_40 = vector.extract_strided_slice %add3A_38 {offsets = [400, 0], sizes = [400, 16], strides = [1, 1]} : vector<3200x16xf32> to vector<400x16xf32>
    %slice3A_41 = vector.extract_strided_slice %add3A_38 {offsets = [800, 0], sizes = [400, 16], strides = [1, 1]} : vector<3200x16xf32> to vector<400x16xf32>
    %slice3A_42 = vector.extract_strided_slice %add3A_38 {offsets = [1200, 0], sizes = [400, 16], strides = [1, 1]} : vector<3200x16xf32> to vector<400x16xf32>
    %slice3A_43 = vector.extract_strided_slice %add3A_38 {offsets = [1600, 0], sizes = [400, 16], strides = [1, 1]} : vector<3200x16xf32> to vector<400x16xf32>
    %slice3A_44 = vector.extract_strided_slice %add3A_38 {offsets = [2000, 0], sizes = [400, 16], strides = [1, 1]} : vector<3200x16xf32> to vector<400x16xf32>
    %slice3A_45 = vector.extract_strided_slice %add3A_38 {offsets = [2400, 0], sizes = [400, 16], strides = [1, 1]} : vector<3200x16xf32> to vector<400x16xf32>
    %slice3A_46 = vector.extract_strided_slice %add3A_38 {offsets = [2800, 0], sizes = [400, 16], strides = [1, 1]} : vector<3200x16xf32> to vector<400x16xf32>
    %concatenate3A_47 = tpu.concatenate %slice3A_39, %slice3A_40, %slice3A_41, %slice3A_42, %slice3A_43, %slice3A_44, %slice3A_45, %slice3A_46 in 1 : vector<400x16xf32>, vector<400x16xf32>, vector<400x16xf32>, vector<400x16xf32>, vector<400x16xf32>, vector<400x16xf32>, vector<400x16xf32>, vector<400x16xf32> -> vector<400x128xf32>
    %swap3A = arith.constant 0 : index
    %swap3A_48 = arith.constant 0 : index
    %swap3A_49 = vector.load %arg7[%swap3A, %swap3A_48] : memref<400x128xf32, #tpu.memory_space<vmem>>, vector<400x128xf32>
    tpu.vector_store %arg7[%swap3A, %swap3A_48], %concatenate3A_47 {strides = array<i32>} : memref<400x128xf32, #tpu.memory_space<vmem>>, vector<400x128xf32>,
    return
  }
  func.func @transform_0(%arg0: i32) -> (i32, i32) {
    %c0_i32 = arith.constant 0 : i32
    %c0_i32_0 = arith.constant 0 : i32
    return %arg0, %c0_i32 : i32, i32
  }
  func.func @transform_1(%arg0: i32) -> (i32, i32) {
    %c0_i32 = arith.constant 0 : i32
    %c0_i32_0 = arith.constant 0 : i32
    return %arg0, %c0_i32 : i32, i32
  }
  func.func @transform_2(%arg0: i32) -> (i32, i32) {
    %c0_i32 = arith.constant 0 : i32
    %c0_i32_0 = arith.constant 0 : i32
    %c0_i32_1 = arith.constant 0 : i32
    return %c0_i32, %c0_i32_0 : i32, i32
  }
  func.func @transform_3(%arg0: i32) -> (i32, i32) {
    %c0_i32 = arith.constant 0 : i32
    %c0_i32_0 = arith.constant 0 : i32
    %c0_i32_1 = arith.constant 0 : i32
    return %c0_i32, %c0_i32_0 : i32, i32
  }
  func.func @transform_4(%arg0: i32) -> (i32, i32) {
    %c0_i32 = arith.constant 0 : i32
    %c0_i32_0 = arith.constant 0 : i32
    %c0_i32_1 = arith.constant 0 : i32
    return %c0_i32, %c0_i32_0 : i32, i32
  }
  func.func @transform_5(%arg0: i32) -> (i32, i32) {
    %c0_i32 = arith.constant 0 : i32
    %c0_i32_0 = arith.constant 0 : i32
    %c0_i32_1 = arith.constant 0 : i32
    return %c0_i32, %c0_i32_0 : i32, i32
  }
  func.func @transform_6(%arg0: i32) -> (i32, i32) {
    %c0_i32 = arith.constant 0 : i32
    %c0_i32_0 = arith.constant 0 : i32
    return %arg0, %c0_i32 : i32, i32
  }
}

module attributes {stable_mosaic.version = 14 : i64} {
  func.func @_update_body(%arg0: memref<2x10240x16xf32, #tpu.memory_space<vmem>>, %arg1: memref<2x10240x16xf32, #tpu.memory_space<vmem>>, %arg2: memref<10000x16xf32, #tpu.memory_space<vmem>>, %arg3: memref<16x16xf32, #tpu.memory_space<vmem>>, %arg4: memref<1x16xf32, #tpu.memory_space<vmem>>, %arg5: memref<10000x16xf32, #tpu.memory_space<vmem>>) attributes {dimension_semantics = [], scalar_prefetch = 0 : i64, scratch_operands = 0 : i64, tpu.core_type = #tpu.core_type<tc>} {
    %get3A = arith.constant 0 : index
    %get3A_0 = arith.constant 0 : index
    %get3A_1 = arith.constant 0 : index
    %get3A_2 = vector.load %arg0[%get3A, %get3A_0, %get3A_1] : memref<2x10240x16xf32, #tpu.memory_space<vmem>>, vector<1x10240x16xf32>
    %get3A_3 = vector.shape_cast %get3A_2 : vector<1x10240x16xf32> to vector<10240x16xf32>
    %get3A_4 = arith.constant 1 : index
    %get3A_5 = arith.constant 0 : index
    %get3A_6 = arith.constant 0 : index
    %get3A_7 = vector.load %arg0[%get3A_4, %get3A_5, %get3A_6] : memref<2x10240x16xf32, #tpu.memory_space<vmem>>, vector<1x10240x16xf32>
    %get3A_8 = vector.shape_cast %get3A_7 : vector<1x10240x16xf32> to vector<10240x16xf32>
    %add3A = arith.addf %get3A_3, %get3A_8 : vector<10240x16xf32>
    %slice3A = vector.extract_strided_slice %add3A {offsets = [0, 0], sizes = [10000, 16], strides = [1, 1]} : vector<10240x16xf32> to vector<10000x16xf32>
    %get3A_9 = arith.constant 0 : index
    %get3A_10 = arith.constant 0 : index
    %get3A_11 = arith.constant 0 : index
    %get3A_12 = vector.load %arg1[%get3A_9, %get3A_10, %get3A_11] : memref<2x10240x16xf32, #tpu.memory_space<vmem>>, vector<1x10240x16xf32>
    %get3A_13 = vector.shape_cast %get3A_12 : vector<1x10240x16xf32> to vector<10240x16xf32>
    %get3A_14 = arith.constant 1 : index
    %get3A_15 = arith.constant 0 : index
    %get3A_16 = arith.constant 0 : index
    %get3A_17 = vector.load %arg1[%get3A_14, %get3A_15, %get3A_16] : memref<2x10240x16xf32, #tpu.memory_space<vmem>>, vector<1x10240x16xf32>
    %get3A_18 = vector.shape_cast %get3A_17 : vector<1x10240x16xf32> to vector<10240x16xf32>
    %add3A_19 = arith.addf %get3A_13, %get3A_18 : vector<10240x16xf32>
    %slice3A_20 = vector.extract_strided_slice %add3A_19 {offsets = [0, 0], sizes = [10000, 16], strides = [1, 1]} : vector<10240x16xf32> to vector<10000x16xf32>
    %max3A = arith.constant 1.000000e+00 : f32
    %max3A_21 = vector.broadcast %max3A : f32 to vector<10000x16xf32>
    %max3A_22 = arith.maximumf %slice3A_20, %max3A_21 : vector<10000x16xf32>
    %get3A_23 = arith.constant 0 : index
    %get3A_24 = arith.constant 0 : index
    %get3A_25 = vector.load %arg2[%get3A_23, %get3A_24] : memref<10000x16xf32, #tpu.memory_space<vmem>>, vector<10000x16xf32>
    %div3A = arith.divf %slice3A, %max3A_22 : vector<10000x16xf32>
    %get3A_26 = arith.constant 0 : index
    %get3A_27 = arith.constant 0 : index
    %get3A_28 = vector.load %arg3[%get3A_26, %get3A_27] : memref<16x16xf32, #tpu.memory_space<vmem>>, vector<16x16xf32>
    %dot_general3A = arith.constant dense<0.000000e+00> : vector<10000x16xf32>
    %dot_general3A_29 = tpu.matmul %get3A_25, %get3A_28, %dot_general3A {dimension_numbers = #tpu.dot_dimension_numbers<[1], [0], [0], [1], [0, 0, 1, 1], [], []>, transpose_lhs_hint = false} : vector<10000x16xf32>, vector<16x16xf32>, vector<10000x16xf32> -> vector<10000x16xf32>
    %add3A_30 = arith.addf %div3A, %dot_general3A_29 : vector<10000x16xf32>
    %get3A_31 = arith.constant 0 : index
    %get3A_32 = arith.constant 0 : index
    %get3A_33 = vector.load %arg4[%get3A_31, %get3A_32] : memref<1x16xf32, #tpu.memory_space<vmem>>, vector<1x16xf32>
    %add3A_34 = vector.broadcast %get3A_33 : vector<1x16xf32> to vector<10000x16xf32>
    %add3A_35 = arith.addf %add3A_30, %add3A_34 : vector<10000x16xf32>
    %max3A_36 = arith.constant 0.000000e+00 : f32
    %max3A_37 = vector.broadcast %max3A_36 : f32 to vector<10000x16xf32>
    %max3A_38 = arith.maximumf %add3A_35, %max3A_37 : vector<10000x16xf32>
    %swap3A = arith.constant 0 : index
    %swap3A_39 = arith.constant 0 : index
    %swap3A_40 = vector.load %arg5[%swap3A, %swap3A_39] : memref<10000x16xf32, #tpu.memory_space<vmem>>, vector<10000x16xf32>
    tpu.vector_store %arg5[%swap3A, %swap3A_39], %max3A_38 {strides = array<i32>} : memref<10000x16xf32, #tpu.memory_space<vmem>>, vector<10000x16xf32>,
    return
  }
}

module attributes {stable_mosaic.version = 14 : i64} {
  func.func @_update_body(%arg0: memref<2x10240x16xf32, #tpu.memory_space<vmem>>, %arg1: memref<2x10240x16xf32, #tpu.memory_space<vmem>>, %arg2: memref<10000x16xf32, #tpu.memory_space<vmem>>, %arg3: memref<16x16xf32, #tpu.memory_space<vmem>>, %arg4: memref<1x16xf32, #tpu.memory_space<vmem>>, %arg5: memref<16x16xf32, #tpu.memory_space<vmem>>, %arg6: memref<1x16xf32, #tpu.memory_space<vmem>>, %arg7: memref<16x1xf32, #tpu.memory_space<vmem>>, %arg8: memref<1x1xf32, #tpu.memory_space<vmem>>, %arg9: memref<10000x1xf32, #tpu.memory_space<vmem>>) attributes {dimension_semantics = [], scalar_prefetch = 0 : i64, scratch_operands = 0 : i64, tpu.core_type = #tpu.core_type<tc>} {
    %get3A = arith.constant 0 : index
    %get3A_0 = arith.constant 0 : index
    %get3A_1 = arith.constant 0 : index
    %get3A_2 = vector.load %arg0[%get3A, %get3A_0, %get3A_1] : memref<2x10240x16xf32, #tpu.memory_space<vmem>>, vector<1x10240x16xf32>
    %get3A_3 = vector.shape_cast %get3A_2 : vector<1x10240x16xf32> to vector<10240x16xf32>
    %get3A_4 = arith.constant 1 : index
    %get3A_5 = arith.constant 0 : index
    %get3A_6 = arith.constant 0 : index
    %get3A_7 = vector.load %arg0[%get3A_4, %get3A_5, %get3A_6] : memref<2x10240x16xf32, #tpu.memory_space<vmem>>, vector<1x10240x16xf32>
    %get3A_8 = vector.shape_cast %get3A_7 : vector<1x10240x16xf32> to vector<10240x16xf32>
    %add3A = arith.addf %get3A_3, %get3A_8 : vector<10240x16xf32>
    %slice3A = vector.extract_strided_slice %add3A {offsets = [0, 0], sizes = [10000, 16], strides = [1, 1]} : vector<10240x16xf32> to vector<10000x16xf32>
    %get3A_9 = arith.constant 0 : index
    %get3A_10 = arith.constant 0 : index
    %get3A_11 = arith.constant 0 : index
    %get3A_12 = vector.load %arg1[%get3A_9, %get3A_10, %get3A_11] : memref<2x10240x16xf32, #tpu.memory_space<vmem>>, vector<1x10240x16xf32>
    %get3A_13 = vector.shape_cast %get3A_12 : vector<1x10240x16xf32> to vector<10240x16xf32>
    %get3A_14 = arith.constant 1 : index
    %get3A_15 = arith.constant 0 : index
    %get3A_16 = arith.constant 0 : index
    %get3A_17 = vector.load %arg1[%get3A_14, %get3A_15, %get3A_16] : memref<2x10240x16xf32, #tpu.memory_space<vmem>>, vector<1x10240x16xf32>
    %get3A_18 = vector.shape_cast %get3A_17 : vector<1x10240x16xf32> to vector<10240x16xf32>
    %add3A_19 = arith.addf %get3A_13, %get3A_18 : vector<10240x16xf32>
    %slice3A_20 = vector.extract_strided_slice %add3A_19 {offsets = [0, 0], sizes = [10000, 16], strides = [1, 1]} : vector<10240x16xf32> to vector<10000x16xf32>
    %max3A = arith.constant 1.000000e+00 : f32
    %max3A_21 = vector.broadcast %max3A : f32 to vector<10000x16xf32>
    %max3A_22 = arith.maximumf %slice3A_20, %max3A_21 : vector<10000x16xf32>
    %get3A_23 = arith.constant 0 : index
    %get3A_24 = arith.constant 0 : index
    %get3A_25 = vector.load %arg2[%get3A_23, %get3A_24] : memref<10000x16xf32, #tpu.memory_space<vmem>>, vector<10000x16xf32>
    %div3A = arith.divf %slice3A, %max3A_22 : vector<10000x16xf32>
    %get3A_26 = arith.constant 0 : index
    %get3A_27 = arith.constant 0 : index
    %get3A_28 = vector.load %arg3[%get3A_26, %get3A_27] : memref<16x16xf32, #tpu.memory_space<vmem>>, vector<16x16xf32>
    %dot_general3A = arith.constant dense<0.000000e+00> : vector<10000x16xf32>
    %dot_general3A_29 = tpu.matmul %get3A_25, %get3A_28, %dot_general3A {dimension_numbers = #tpu.dot_dimension_numbers<[1], [0], [0], [1], [0, 0, 1, 1], [], []>, transpose_lhs_hint = false} : vector<10000x16xf32>, vector<16x16xf32>, vector<10000x16xf32> -> vector<10000x16xf32>
    %add3A_30 = arith.addf %div3A, %dot_general3A_29 : vector<10000x16xf32>
    %get3A_31 = arith.constant 0 : index
    %get3A_32 = arith.constant 0 : index
    %get3A_33 = vector.load %arg4[%get3A_31, %get3A_32] : memref<1x16xf32, #tpu.memory_space<vmem>>, vector<1x16xf32>
    %add3A_34 = vector.broadcast %get3A_33 : vector<1x16xf32> to vector<10000x16xf32>
    %add3A_35 = arith.addf %add3A_30, %add3A_34 : vector<10000x16xf32>
    %max3A_36 = arith.constant 0.000000e+00 : f32
    %max3A_37 = vector.broadcast %max3A_36 : f32 to vector<10000x16xf32>
    %max3A_38 = arith.maximumf %add3A_35, %max3A_37 : vector<10000x16xf32>
    %get3A_39 = arith.constant 0 : index
    %get3A_40 = arith.constant 0 : index
    %get3A_41 = vector.load %arg5[%get3A_39, %get3A_40] : memref<16x16xf32, #tpu.memory_space<vmem>>, vector<16x16xf32>
    %dot_general3A_42 = arith.constant dense<0.000000e+00> : vector<10000x16xf32>
    %dot_general3A_43 = tpu.matmul %max3A_38, %get3A_41, %dot_general3A_42 {dimension_numbers = #tpu.dot_dimension_numbers<[1], [0], [0], [1], [0, 0, 1, 1], [], []>, transpose_lhs_hint = false} : vector<10000x16xf32>, vector<16x16xf32>, vector<10000x16xf32> -> vector<10000x16xf32>
    %get3A_44 = arith.constant 0 : index
    %get3A_45 = arith.constant 0 : index
    %get3A_46 = vector.load %arg6[%get3A_44, %get3A_45] : memref<1x16xf32, #tpu.memory_space<vmem>>, vector<1x16xf32>
    %add3A_47 = vector.broadcast %get3A_46 : vector<1x16xf32> to vector<10000x16xf32>
    %add3A_48 = arith.addf %dot_general3A_43, %add3A_47 : vector<10000x16xf32>
    %max3A_49 = arith.constant 0.000000e+00 : f32
    %max3A_50 = vector.broadcast %max3A_49 : f32 to vector<10000x16xf32>
    %max3A_51 = arith.maximumf %add3A_48, %max3A_50 : vector<10000x16xf32>
    %get3A_52 = arith.constant 0 : index
    %get3A_53 = arith.constant 0 : index
    %get3A_54 = vector.load %arg7[%get3A_52, %get3A_53] : memref<16x1xf32, #tpu.memory_space<vmem>>, vector<16x1xf32>
    %dot_general3A_55 = arith.constant dense<0.000000e+00> : vector<10000x1xf32>
    %dot_general3A_56 = tpu.matmul %max3A_51, %get3A_54, %dot_general3A_55 {dimension_numbers = #tpu.dot_dimension_numbers<[1], [0], [0], [1], [0, 0, 1, 1], [], []>, transpose_lhs_hint = false} : vector<10000x16xf32>, vector<16x1xf32>, vector<10000x1xf32> -> vector<10000x1xf32>
    %get3A_57 = arith.constant 0 : index
    %get3A_58 = arith.constant 0 : index
    %get3A_59 = vector.load %arg8[%get3A_57, %get3A_58] : memref<1x1xf32, #tpu.memory_space<vmem>>, vector<1x1xf32>
    %add3A_60 = vector.broadcast %get3A_59 : vector<1x1xf32> to vector<10000x1xf32>
    %add3A_61 = arith.addf %dot_general3A_56, %add3A_60 : vector<10000x1xf32>
    %swap3A = arith.constant 0 : index
    %swap3A_62 = arith.constant 0 : index
    %swap3A_63 = vector.load %arg9[%swap3A, %swap3A_62] : memref<10000x1xf32, #tpu.memory_space<vmem>>, vector<10000x1xf32>
    tpu.vector_store %arg9[%swap3A, %swap3A_62], %add3A_61 {strides = array<i32>} : memref<10000x1xf32, #tpu.memory_space<vmem>>, vector<10000x1xf32>,
    return
  }
}

</mosaic_0001>

<sc_bundles>
// kernel: kernel.14.cloned.1.call-start
scs
__scs_entry_jumppad:
0x0: {  	(pc) =	sbr.rel $0x88, $3  }
0x1: {  	(tag) =	ssettag $0x0;
	lr =	simm.s32 $0x1  }
0x2: {  	[smem:$0x3F8E] =	sst lr;
	_ =	strace $0xD0000000  }
0x3: {  	_ = 	snop  }
0x4: {  	_ = 	snop  }
0x5: {  	_ = 	snop  }
0x6: {  	_ = 	snop  }
0x7: {  	_ = 	snop  }
__scs_overlays_trampoline_lowered:
0x8: {  	[smem:$0x3F9D] =	sst s0  }
0x9: {  	[smem:$0x3F9E] =	sst s1  }
0xa: {  	[smem:$0x3F9F] =	sst s2  }
0xb: {  	[smem:$0x3FA0] =	sst s3  }
0xc: {  	[smem:$0x3FA1] =	sst s4  }
0xd: {  	[smem:$0x3FA2] =	sst s5  }
0xe: {  	[smem:$0x3FA3] =	sst s6  }
0xf: {  	[smem:$0x3FA4] =	sst s7  }
0x10: {  	[smem:$0x3FA5] =	sst s8  }
0x11: {  	[smem:$0x3FA6] =	sst s9;
	s0 =	simm.s32 @!p0 $0x0  }
0x12: {  	s1 =	sld [smem:$0x3F8C];
	s0 =	simm.s32 @p0 $0x1  }
0x13: {  	[smem:$0x3FA7] =	sst s0;
	s0 =	simm.s32 @!p1 $0x0  }
0x14: {  	s2 =	sld [smem:$0x3F8B];
	s0 =	simm.s32 @p1 $0x1  }
0x15: {  	[smem:$0x3FA8] =	sst s0;
	s0 =	simm.s32 @!p2 $0x0  }
0x16: {  	s3 =	sld [smem:$0x3FDB];
	s0 =	simm.s32 @p2 $0x1  }
0x17: {  	s4 =	simm.s32 $0x1BF5;
	[smem:$0x3FAA] =	sst s0  }
0x18: {  	s0 =	sld [smem:$0x3F8D];
	_ =	swait.ge [sflag:s4], $0x0  }
0x19: {  	s7 =	sld [smem:$0x3F8E]  }
0x1a: {  	s8 =	sadd.s32 $0xFFFFE003, lr  }
0x1b: {  	s9 =	sadd.s32 $0xFFFFFEF7, lr;
	s5 =	simm.s32 $0xFFFFFFFF;
	p2 =	slt.u32 s8, $0xFFFFF086  }
0x1c: {  	p1 =	slt.u32 s9, $0xF7A;
	s5 =	simm.s32 @!p2 $0x0  }
0x1d: {  	s5 =	simm.s32 @p1 $0x1;
	p0 =	seq.s32 s7, s2  }
0x1e: {  	s7 =	smul.u32 @!p0 $0xF7A, s2;
	p2 =	seq.s32 @!p0 s5, $0x0  }
0x1f: {  	s9 =	smul.u32 $0xF7A, s1;
	s8 =	simm.s32 @!p0 $0x1BF5;
	p2 =	por !p2, p0  }
0x20: {  	[sflag:s8] =	ssyncset.s32 @!p0 $0xFFFFF086;
	s6 =	sadd.s32 @!p0 s3, s7;
	s7 =	simm.s32 @!p0 $0x108  }
0x21: {  	s3 =	sadd.s32 s3, s9;
	s6 =	sadd.s32 @!p0 $0x88, s6;
	s7 =	simm.s32 @p2 $0x1082  }
0x22: {  	[simem:s7], [sflag:s8] =	dma.local @!p0 [hbm:s6], $0xF7A  }
0x23: {  	s9 =	sor.u32 $0xD0000000, s2;
	s6 =	simm.s32 $0x108;
	_ =	swait.ge @!p0 [sflag:s8], $0x0  }
0x24: {  	s3 =	sadd.s32 $0x88, s3;
	s6 =	simm.s32 @!p1 $0x1082;
	[sflag:s4] =	ssyncset.s32 $0xFFFFF086  }
0x25: {  	[simem:s6], [sflag:s4] =	dma.local [hbm:s3], $0xF7A  }
0x26: {  	[smem:$0x3F8E] =	sst s1;
	(tag) =	ssettag s2;
	_ =	strace s9  }
0x27: {  	s1 =	sld [smem:$0x3F9E]  }
0x28: {  	s2 =	sld [smem:$0x3F9F]  }
0x29: {  	s4 =	sld [smem:$0x3FA1]  }
0x2a: {  	p0 =	seq.s32 s5, $0x0;
	s5 =	sld [smem:$0x3FA2]  }
0x2b: {  	s6 =	sld [smem:$0x3FA3]  }
0x2c: {  	s7 =	sld [smem:$0x3FA4]  }
0x2d: {  	s3 =	simm.s32 $0x108;
	s8 =	sld [smem:$0x3FA5]  }
0x2e: {  	s3 =	simm.s32 @!p0 $0x1082;
	s9 =	sld [smem:$0x3FA6]  }
0x2f: {  	lr =	sadd.s32 s0, s3;
	s0 =	sld [smem:$0x3F9D]  }
0x30: {  	s3 =	sld [smem:$0x3FA0]  }
0x31: {  	[smem:$0x3FA9] =	sst s10  }
0x32: {  	s10 =	sld [smem:$0x3FA7];
	_ =	sdelay $0x3  }
0x33: {  	p0 =	seq.s32 s10, $0x1;
	s10 =	sld [smem:$0x3FA9];
	_ =	sdelay $0x3  }
0x34: {  	[smem:$0x3FA9] =	sst s10  }
0x35: {  	s10 =	sld [smem:$0x3FA8];
	_ =	sdelay $0x3  }
0x36: {  	p1 =	seq.s32 s10, $0x1;
	s10 =	sld [smem:$0x3FA9];
	_ =	sdelay $0x3  }
0x37: {  	[smem:$0x3FA9] =	sst s10  }
0x38: {  	s10 =	sld [smem:$0x3FAA]  }
0x39: {  	_ = 	snop;
	(pc) =	sbr.ind lr, $3  }
0x3a: {  	_ = 	snop  }
0x3b: {  	_ = 	snop  }
0x3c: {  	p2 =	seq.s32 s10, $0x1;
	s10 =	sld [smem:$0x3FA9]  }
0x3d: {  	_ =	shalt  }
0x3e: {  	_ =	shalt  }
0x3f: {  	_ =	shalt  }
0x40: {  	_ =	shalt  }
0x41: {  	_ =	shalt  }
0x42: {  	_ =	shalt  }
0x43: {  	_ =	shalt  }
0x44: {  	_ =	shalt  }
0x45: {  	_ =	shalt  }
0x46: {  	_ =	shalt  }
0x47: {  	_ =	shalt  }
0x48: {  	_ =	shalt  }
0x49: {  	_ =	shalt  }
0x4a: {  	_ =	shalt  }
0x4b: {  	_ =	shalt  }
0x4c: {  	_ =	shalt  }
0x4d: {  	_ =	shalt  }
0x4e: {  	_ =	shalt  }
0x4f: {  	_ =	shalt  }
0x50: {  	_ =	shalt  }
0x51: {  	_ =	shalt  }
0x52: {  	_ =	shalt  }
0x53: {  	_ =	shalt  }
0x54: {  	_ =	shalt  }
0x55: {  	_ =	shalt  }
0x56: {  	_ =	shalt  }
0x57: {  	_ =	shalt  }
0x58: {  	_ =	shalt  }
0x59: {  	_ =	shalt  }
0x5a: {  	_ =	shalt  }
0x5b: {  	_ =	shalt  }
0x5c: {  	_ =	shalt  }
0x5d: {  	_ =	shalt  }
0x5e: {  	_ =	shalt  }
0x5f: {  	_ =	shalt  }
0x60: {  	_ =	shalt  }
0x61: {  	_ =	shalt  }
0x62: {  	_ =	shalt  }
0x63: {  	_ =	shalt  }
0x64: {  	_ =	shalt  }
0x65: {  	_ =	shalt  }
0x66: {  	_ =	shalt  }
0x67: {  	_ =	shalt  }
0x68: {  	_ =	shalt  }
0x69: {  	_ =	shalt  }
0x6a: {  	_ =	shalt  }
0x6b: {  	_ =	shalt  }
0x6c: {  	_ =	shalt  }
0x6d: {  	_ =	shalt  }
0x6e: {  	_ =	shalt  }
0x6f: {  	_ =	shalt  }
0x70: {  	_ =	shalt  }
0x71: {  	_ =	shalt  }
0x72: {  	_ =	shalt  }
0x73: {  	_ =	shalt  }
0x74: {  	_ =	shalt  }
0x75: {  	_ =	shalt  }
0x76: {  	_ =	shalt  }
0x77: {  	_ =	shalt  }
0x78: {  	_ =	shalt  }
0x79: {  	_ =	shalt  }
0x7a: {  	_ =	shalt  }
0x7b: {  	_ =	shalt  }
0x7c: {  	_ =	shalt  }
0x7d: {  	_ =	shalt  }
0x7e: {  	_ =	shalt  }
0x7f: {  	_ =	shalt  }
0x80: {  	_ =	shalt  }
0x81: {  	_ =	shalt  }
0x82: {  	_ =	shalt  }
0x83: {  	_ =	shalt  }
0x84: {  	_ =	shalt  }
0x85: {  	_ =	shalt  }
0x86: {  	_ =	shalt  }
0x87: {  	_ =	shalt  }
.Lfunc_end0:
.L_simem_size_0:
called_computation_lowered:
.L_overlay_start_0:
0x88: {  	s2 =	sld [smem:$0x3FD9]  }
0x89: {  	s3 =	sld [smem:$0x3FFE];
	_ =	sdelay $0x1  }
0x8a: {  	s1 =	srdreg.scid  }
0x8b: {  	s0 =	sand.u32 $0x1, s1  }
0x8c: {  	s17 =	sshll.u32 s0, $0xA;
	s2 =	sadd.s32 s3, s2  }
0x8d: {  	s2 =	sadd.s32 s2, s17  }
0x8e: {  	[smem:$0x3FB5] =	sst s2  }
0x8f: {  	_ = 	snop  }
0x90: {  	s2 =	sld [smem:$0x3FC9];
	(tm) =	ssettm $0x1  }
0x91: {  	s18 =	sld [smem:$0x3FFB];
	_ =	sdelay $0x3  }
0x92: {  	_ =	strace s18  }
0x93: {  	s3 =	sld [smem:$0x3FFC];
	_ =	sdelay $0x3  }
0x94: {  	_ =	strace s3  }
0x95: {  	s3 =	sld [smem:$0x3FFD];
	_ =	sdelay $0x3  }
0x96: {  	_ =	strace s3  }
0x97: {  	_ =	strace $0x8FFFFFFF  }
0x98: {  	s19 =	sld [smem:$0x3FDB];
	_ =	sdelay $0x1  }
0x99: {  	s4 =	simm.s32 $_scs_section_size  }
0x9a: {  	s5 =	simm.s32 $_size__tile_overlayer_lowered;
	s6 =	simm.s32 $_tile_overlayer_lowered  }
0x9b: {  	s22 =	simm.s32 $0x1BFF;
	s21 =	sshll.u32 s6, $0x1;
	s3 =	sadd.s32 s4, s19  }
0x9c: {  	s7 =	simm.s32 $0x0;
	s20 =	sshll.u32 s5, $0x1;
	s5 =	sadd.s32 s21, s3  }
0x9d: {  	[timem:s7], [sflag:s22] =	dma.local [hbm:s5], s20  }
0x9e: {  	_ =	swait.ge [sflag:s22], s20  }
0x9f: {  	s4 =	ssub.s32 $0x0, s20;
	[sflag:s22] =	ssyncset.done $0x0  }
0xa0: {  	[sflag:s22] =	ssyncadd.s32 s4;
	_ =	sdelay $0x1  }
0xa1: {  	s23 =	simm.s32 $0x1B8B  }
0xa2: {  	_ =	swait.ge [sflag:s23], $0x1  }
0xa3: {  	[sflag:s23] =	ssyncset.done $0x0  }
0xa4: {  	s25 =	simm.s32 $0x1B8E;
	s24 =	sld [smem:$0x3FFE];
	[sflag:s23] =	ssyncadd.s32 $0xFFFFFFFF  }
0xa5: {  	s26 =	simm.s32 $execute0_lowered;
	[smem:$0x3FD2] =	sst s25  }
0xa6: {  	s5 =	sshll.u32 s26, $0x1;
	_ =	strace $0x80000046;
	[dreg:$0x1] =	wrdreg $0xFFFFFFFF  }
0xa7: {  	s28 =	simm.s32 $_size_execute0_lowered;
	s3 =	sadd.s32 s3, s5;
	[dreg:$0x0] =	wrdreg $0x0  }
0xa8: {  	s5 =	sshll.u32 s28, $0x1;
	[dreg:$0x2] =	wrdreg s3  }
0xa9: {  	[dreg:$0x3] =	wrdreg s5  }
0xaa: {  	[dreg:$0x4] =	wrdreg $0xC0  }
0xab: {  	_ =	task [dreg:s7], $0x5FFFF  }
0xac: {  	[dreg:$0x1] =	wrdreg $0xFFFFFFFF  }
0xad: {  	[dreg:$0x0] =	wrdreg $0x60  }
0xae: {  	[dreg:$0x2] =	wrdreg s2  }
0xaf: {  	[dreg:$0x3] =	wrdreg s24  }
0xb0: {  	[dreg:$0x4] =	wrdreg $0x9  }
0xb1: {  	_ =	task.clear_ibuf [dreg:s7], $0x5FFFF;
	_ =	strace $0x90000046  }
0xb2: {  	s29 =	simm.s32 $0x9;
	_ =	strace $0x80000048  }
0xb3: {  	_ =	swait.ge [sflag:s29], $0x1  }
0xb4: {  	[sflag:s29] =	ssyncadd.s32 $0xFFFFFFFF  }
0xb5: {  	_ =	strace $0x90000048  }
0xb6: {  	_ =	sfence  }
0xb7: {  	s30 =	sld [smem:$0x0];
	_ =	sdelay $0x2  }
0xb8: {  	s31 =	sshll.u32 s1, $0xD;
	s1 =	sshrl.u32 s1, $0x2  }
0xb9: {  	s3 =	sand.u32 $0x4000, s31;
	s1 =	sadd.s32 s1, s30  }
0xba: {  	s0 =	sor.u32 s3, s0;
	s1 =	sshll.u32 s1, $0x11  }
0xbb: {  	s0 =	sor.u32 s1, s0  }
0xbc: {  	s0 =	sadd.s32 $0x8F2B, s0  }
0xbd: {  	[sflag:s0] =	ssyncadd.remote.s32 $0x1  }
0xbe: {  	_ =	sfence.sel $0xFFFF  }
0xbf: {  	[dreg:$0x0] =	wrdreg $0xFFFFFFFF;
	(pc) =	sbr.abs _section_cstart, $3  }
0xc0: {  	[dreg:$0x1] =	wrdreg $0xFFFFFFFF  }
0xc1: {  	_ =	task.clear_ibuf [dreg:s7], $0x2FFFF;
	_ =	strace $0x9FFFFFFF  }
0xc2: {  	(tm) =	ssettm $0x7FFFFFFF  }
0xc3: {  	_ =	shalt  }
tec
execute0_lowered:
.L_overlay_start_1:
0x0: {  	(tag) =	ssettag $0x1  }
0x1: {  	s1 =	srdreg.scid;
	s2 =	rddreg [dreg:$0x0]  }
0x2: {  	s0 =	stileid.u32;
	s5 =	rddreg [dreg:$0x1]  }
0x3: {  	s3 =	simm.s32 $0x0;
	s11 =	simm.s32 $0x0;
	s4 =	sand.u32 $0x1, s1  }
0x4: {  	s28 =	sshll.u32 s0, $0x1;
	s1 =	rddreg [dreg:$0x2];
	s7 =	smul.u32 $0x28000, s0  }
0x5: {  	[smem:$0x7FF] =	sst s3;
	s6 =	sor.u32 s4, s28;
	s10 =	smul.u32 $0x14000, s4  }
0x6: {  	s8 =	ssub.s32 $0x2, s4;
	_ =	strace $0x80000047;
	s6 =	smul.u32 $0x280, s6  }
0x7: {  	s9 =	sshrl.u32 s8, $0x1;
	s30 =	sadd.s32 s7, s5;
	s7 =	simm.s32 $0x2  }
0x8: {  	s31 =	ssub.s32 s8, s9;
	s8 =	simm.s32 $0x80;
	s9 =	simm.s32 $0x1400  }
0x9: {  	s29 =	sadd.s32 s6, s5;
	s5 =	smax.u32 s31, $0x1;
	s6 =	sadd.s32 s10, s30  }
0xa: {  	s10 =	simm.s32 $0x1;
	s4 =	sadd.s32 $0x9C00, s29;
	s6 =	sadd.s32 $0xEC00, s6  }
.LBB2_1:
0xb: {  	[tilespmem:s3], [sflag:$0x2] =	stream.linear.gather [hbm4b:s4+s3], $0x1400, $0x38;
	[tilespmem:$0x5400] =	vst v63  }
0xc: {  	_ =	swait.ge [sflag:s7], $0x1400  }
0xd: {  	[sflag:s7] =	ssyncset.done $0x0  }
0xe: {  	s12 =	simm.s32 $0x0;
	[sflag:s7] =	ssyncadd.s32 $0xFFFFEC00  }
0xf: {  	[tilespmem:s9], [sflag:$0x1] =	stream.indirect.gather [hbm4b:s2+s8], $0x80, s12, s8, $0xb8;
	[tilespmem:$0x5400] =	vst v63  }
0x10: {  	_ =	swait.ge [sflag:s10], $0x4000  }
0x11: {  	[sflag:s10] =	ssyncset.done $0x0  }
0x12: {  	[sflag:s10] =	ssyncadd.s32 $0xFFFFC000  }
0x13: {  	[hbm4b:s6+s3] =	stream.linear.scatter [tilespmem:s9], [sflag:$0x2], $0x4000, $0x38;
	[tilespmem:$0x5400] =	vst v63  }
0x14: {  	s13 =	simm.s32 $0x200;
	_ =	swait.ge [sflag:s7], $0x4000  }
0x15: {  	s14 =	simm.s32 $0x400;
	s12 =	sadd.s32 $0x800, s6;
	[sflag:s7] =	ssyncset.done $0x0  }
.LBB2_2:
0x16: {  	s15 =	sshra.s32 s13, $0x2  }
0x17: {  	[sflag:s7] =	ssyncadd.s32 $0xFFFFC000;
	s13 =	smov.u32 s14;
	s16 =	sadd.s32 $0x200, s14  }
0x18: {  	[tilespmem:s9], [sflag:$0x1] =	stream.indirect.gather [hbm4b:s2+s8], $0x80, s15, s8, $0xb8;
	[tilespmem:$0x5400] =	vst v63  }
0x19: {  	p0 =	sne.s32 s14, $0x4E00;
	_ =	swait.ge [sflag:s10], $0x4000  }
.Ltmp0:
0x1a: {  	[sflag:s10] =	ssyncset.done $0x0;
	(pc) =	sbr.rel @p0 .LBB2_2-.Ltmp0, $4  }
0x1b: {  	[sflag:s10] =	ssyncadd.s32 $0xFFFFC000  }
0x1c: {  	[hbm4b:s12+s3] =	stream.linear.scatter [tilespmem:s9], [sflag:$0x2], $0x4000, $0x38;
	[tilespmem:$0x5400] =	vst v63  }
0x1d: {  	_ =	swait.ge [sflag:s7], $0x4000  }
0x1e: {  	s14 =	smov.u32 s16;
	s12 =	sadd.s32 $0x800, s12;
	[sflag:s7] =	ssyncset.done $0x0  }
0x1f: {  	s13 =	sshra.s32 s13, $0x2;
	[sflag:s7] =	ssyncadd.s32 $0xFFFFC000  }
0x20: {  	[tilespmem:s9], [sflag:$0x1] =	stream.indirect.gather [hbm4b:s2+s8], $0x80, s13, s8, $0xb8;
	[tilespmem:$0x5400] =	vst v63  }
0x21: {  	s11 =	sadd.s32 $0x1, s11;
	_ =	swait.ge [sflag:s10], $0x4000  }
0x22: {  	p0 =	sne.s32 s11, s5;
	[sflag:s10] =	ssyncset.done $0x0  }
.Ltmp1:
0x23: {  	[sflag:s10] =	ssyncadd.s32 $0xFFFFC000;
	(pc) =	sbr.rel @p0 .LBB2_1-.Ltmp1, $4  }
0x24: {  	[hbm4b:s12+s3] =	stream.linear.scatter [tilespmem:s9], [sflag:$0x2], $0x4000, $0x38;
	[tilespmem:$0x5400] =	vst v63  }
0x25: {  	_ =	swait.ge [sflag:s7], $0x4000  }
0x26: {  	[sflag:s7] =	ssyncset.done $0x0  }
0x27: {  	[sflag:s7] =	ssyncadd.s32 $0xFFFFC000  }
0x28: {  	_ =	sfence.sel $0x180000  }
0x29: {  	[bflag:$0x0] =	sbarrier.arrive $0xFFFF  }
0x2a: {  	p0 =	sne.s32 s0, $0x0;
	_ =	strace $0x90000047  }
0x2b: {  	s0 =	sadd.s32 @!p0 $0x100000, s1;
	[bflag:$0x2] =	sbarrier.arrive $0xFFFF  }
0x2c: {  	[sflag:s0] =	ssyncadd.tile.s32 @!p0 $0x1;
	_ =	shalt  }
.Lfunc_end2:
_tile_overlayer_lowered:
.L_overlay_start_2:
0x2d: {  	(tag) =	ssettag $0x2  }
0x2e: {  	s0 =	rddreg [dreg:$0x0];
	s2 =	stileid.u32  }
0x2f: {  	s1 =	rddreg [dreg:$0x1];
	p0 =	sne.s32 s2, $0x0  }
0x30: {  	s3 =	rddreg [dreg:$0x2];
	[bflag:$0x3] =	sbarrier.arrive $0xFFFF;
	s2 =	simm.s32 @!p0 $0x1C02  }
0x31: {  	[timem:s3], [sflag:s2] =	dma.local @!p0 [hbm:s0], s1  }
0x32: {  	s0 =	simm.s32 @!p0 $0x2  }
0x33: {  	_ =	swait.ge @!p0 [sflag:s0], s1  }
0x34: {  	s1 =	ssub.s32 @!p0 $0x0, s1;
	[sflag:s0] =	ssyncset.done @!p0 $0x0  }
0x35: {  	[sflag:s0] =	ssyncadd.s32 @!p0 s1  }
0x36: {  	[bflag:$0x3] =	sbarrier.arrive $0xFFFF  }
0x37: {  	_ =	shalt  }

// kernel: kernel.17.cloned.1.call-start
scs
__scs_entry_jumppad:
0x0: {  	(pc) =	sbr.rel $0x88, $3  }
0x1: {  	(tag) =	ssettag $0x0;
	lr =	simm.s32 $0x1  }
0x2: {  	[smem:$0x3F8E] =	sst lr;
	_ =	strace $0xD0000000  }
0x3: {  	_ = 	snop  }
0x4: {  	_ = 	snop  }
0x5: {  	_ = 	snop  }
0x6: {  	_ = 	snop  }
0x7: {  	_ = 	snop  }
__scs_overlays_trampoline_lowered:
0x8: {  	[smem:$0x3F9D] =	sst s0  }
0x9: {  	[smem:$0x3F9E] =	sst s1  }
0xa: {  	[smem:$0x3F9F] =	sst s2  }
0xb: {  	[smem:$0x3FA0] =	sst s3  }
0xc: {  	[smem:$0x3FA1] =	sst s4  }
0xd: {  	[smem:$0x3FA2] =	sst s5  }
0xe: {  	[smem:$0x3FA3] =	sst s6  }
0xf: {  	[smem:$0x3FA4] =	sst s7  }
0x10: {  	[smem:$0x3FA5] =	sst s8  }
0x11: {  	[smem:$0x3FA6] =	sst s9;
	s0 =	simm.s32 @!p0 $0x0  }
0x12: {  	s1 =	sld [smem:$0x3F8C];
	s0 =	simm.s32 @p0 $0x1  }
0x13: {  	[smem:$0x3FA7] =	sst s0;
	s0 =	simm.s32 @!p1 $0x0  }
0x14: {  	s2 =	sld [smem:$0x3F8B];
	s0 =	simm.s32 @p1 $0x1  }
0x15: {  	[smem:$0x3FA8] =	sst s0;
	s0 =	simm.s32 @!p2 $0x0  }
0x16: {  	s3 =	sld [smem:$0x3FDB];
	s0 =	simm.s32 @p2 $0x1  }
0x17: {  	s4 =	simm.s32 $0x1BF5;
	[smem:$0x3FAA] =	sst s0  }
0x18: {  	s0 =	sld [smem:$0x3F8D];
	_ =	swait.ge [sflag:s4], $0x0  }
0x19: {  	s7 =	sld [smem:$0x3F8E]  }
0x1a: {  	s8 =	sadd.s32 $0xFFFFE003, lr  }
0x1b: {  	s9 =	sadd.s32 $0xFFFFFEF7, lr;
	s5 =	simm.s32 $0xFFFFFFFF;
	p2 =	slt.u32 s8, $0xFFFFF086  }
0x1c: {  	p1 =	slt.u32 s9, $0xF7A;
	s5 =	simm.s32 @!p2 $0x0  }
0x1d: {  	s5 =	simm.s32 @p1 $0x1;
	p0 =	seq.s32 s7, s2  }
0x1e: {  	s7 =	smul.u32 @!p0 $0xF7A, s2;
	p2 =	seq.s32 @!p0 s5, $0x0  }
0x1f: {  	s9 =	smul.u32 $0xF7A, s1;
	s8 =	simm.s32 @!p0 $0x1BF5;
	p2 =	por !p2, p0  }
0x20: {  	[sflag:s8] =	ssyncset.s32 @!p0 $0xFFFFF086;
	s6 =	sadd.s32 @!p0 s3, s7;
	s7 =	simm.s32 @!p0 $0x108  }
0x21: {  	s3 =	sadd.s32 s3, s9;
	s6 =	sadd.s32 @!p0 $0x88, s6;
	s7 =	simm.s32 @p2 $0x1082  }
0x22: {  	[simem:s7], [sflag:s8] =	dma.local @!p0 [hbm:s6], $0xF7A  }
0x23: {  	s9 =	sor.u32 $0xD0000000, s2;
	s6 =	simm.s32 $0x108;
	_ =	swait.ge @!p0 [sflag:s8], $0x0  }
0x24: {  	s3 =	sadd.s32 $0x88, s3;
	s6 =	simm.s32 @!p1 $0x1082;
	[sflag:s4] =	ssyncset.s32 $0xFFFFF086  }
0x25: {  	[simem:s6], [sflag:s4] =	dma.local [hbm:s3], $0xF7A  }
0x26: {  	[smem:$0x3F8E] =	sst s1;
	(tag) =	ssettag s2;
	_ =	strace s9  }
0x27: {  	s1 =	sld [smem:$0x3F9E]  }
0x28: {  	s2 =	sld [smem:$0x3F9F]  }
0x29: {  	s4 =	sld [smem:$0x3FA1]  }
0x2a: {  	p0 =	seq.s32 s5, $0x0;
	s5 =	sld [smem:$0x3FA2]  }
0x2b: {  	s6 =	sld [smem:$0x3FA3]  }
0x2c: {  	s7 =	sld [smem:$0x3FA4]  }
0x2d: {  	s3 =	simm.s32 $0x108;
	s8 =	sld [smem:$0x3FA5]  }
0x2e: {  	s3 =	simm.s32 @!p0 $0x1082;
	s9 =	sld [smem:$0x3FA6]  }
0x2f: {  	lr =	sadd.s32 s0, s3;
	s0 =	sld [smem:$0x3F9D]  }
0x30: {  	s3 =	sld [smem:$0x3FA0]  }
0x31: {  	[smem:$0x3FA9] =	sst s10  }
0x32: {  	s10 =	sld [smem:$0x3FA7];
	_ =	sdelay $0x3  }
0x33: {  	p0 =	seq.s32 s10, $0x1;
	s10 =	sld [smem:$0x3FA9];
	_ =	sdelay $0x3  }
0x34: {  	[smem:$0x3FA9] =	sst s10  }
0x35: {  	s10 =	sld [smem:$0x3FA8];
	_ =	sdelay $0x3  }
0x36: {  	p1 =	seq.s32 s10, $0x1;
	s10 =	sld [smem:$0x3FA9];
	_ =	sdelay $0x3  }
0x37: {  	[smem:$0x3FA9] =	sst s10  }
0x38: {  	s10 =	sld [smem:$0x3FAA]  }
0x39: {  	_ = 	snop;
	(pc) =	sbr.ind lr, $3  }
0x3a: {  	_ = 	snop  }
0x3b: {  	_ = 	snop  }
0x3c: {  	p2 =	seq.s32 s10, $0x1;
	s10 =	sld [smem:$0x3FA9]  }
0x3d: {  	_ =	shalt  }
0x3e: {  	_ =	shalt  }
0x3f: {  	_ =	shalt  }
0x40: {  	_ =	shalt  }
0x41: {  	_ =	shalt  }
0x42: {  	_ =	shalt  }
0x43: {  	_ =	shalt  }
0x44: {  	_ =	shalt  }
0x45: {  	_ =	shalt  }
0x46: {  	_ =	shalt  }
0x47: {  	_ =	shalt  }
0x48: {  	_ =	shalt  }
0x49: {  	_ =	shalt  }
0x4a: {  	_ =	shalt  }
0x4b: {  	_ =	shalt  }
0x4c: {  	_ =	shalt  }
0x4d: {  	_ =	shalt  }
0x4e: {  	_ =	shalt  }
0x4f: {  	_ =	shalt  }
0x50: {  	_ =	shalt  }
0x51: {  	_ =	shalt  }
0x52: {  	_ =	shalt  }
0x53: {  	_ =	shalt  }
0x54: {  	_ =	shalt  }
0x55: {  	_ =	shalt  }
0x56: {  	_ =	shalt  }
0x57: {  	_ =	shalt  }
0x58: {  	_ =	shalt  }
0x59: {  	_ =	shalt  }
0x5a: {  	_ =	shalt  }
0x5b: {  	_ =	shalt  }
0x5c: {  	_ =	shalt  }
0x5d: {  	_ =	shalt  }
0x5e: {  	_ =	shalt  }
0x5f: {  	_ =	shalt  }
0x60: {  	_ =	shalt  }
0x61: {  	_ =	shalt  }
0x62: {  	_ =	shalt  }
0x63: {  	_ =	shalt  }
0x64: {  	_ =	shalt  }
0x65: {  	_ =	shalt  }
0x66: {  	_ =	shalt  }
0x67: {  	_ =	shalt  }
0x68: {  	_ =	shalt  }
0x69: {  	_ =	shalt  }
0x6a: {  	_ =	shalt  }
0x6b: {  	_ =	shalt  }
0x6c: {  	_ =	shalt  }
0x6d: {  	_ =	shalt  }
0x6e: {  	_ =	shalt  }
0x6f: {  	_ =	shalt  }
0x70: {  	_ =	shalt  }
0x71: {  	_ =	shalt  }
0x72: {  	_ =	shalt  }
0x73: {  	_ =	shalt  }
0x74: {  	_ =	shalt  }
0x75: {  	_ =	shalt  }
0x76: {  	_ =	shalt  }
0x77: {  	_ =	shalt  }
0x78: {  	_ =	shalt  }
0x79: {  	_ =	shalt  }
0x7a: {  	_ =	shalt  }
0x7b: {  	_ =	shalt  }
0x7c: {  	_ =	shalt  }
0x7d: {  	_ =	shalt  }
0x7e: {  	_ =	shalt  }
0x7f: {  	_ =	shalt  }
0x80: {  	_ =	shalt  }
0x81: {  	_ =	shalt  }
0x82: {  	_ =	shalt  }
0x83: {  	_ =	shalt  }
0x84: {  	_ =	shalt  }
0x85: {  	_ =	shalt  }
0x86: {  	_ =	shalt  }
0x87: {  	_ =	shalt  }
.Lfunc_end0:
.L_simem_size_0:
called_computation.1_lowered:
.L_overlay_start_0:
0x88: {  	s2 =	sld [smem:$0x3FD9]  }
0x89: {  	s3 =	sld [smem:$0x3FFE];
	_ =	sdelay $0x1  }
0x8a: {  	s1 =	srdreg.scid  }
0x8b: {  	s0 =	sand.u32 $0x1, s1  }
0x8c: {  	s17 =	sshll.u32 s0, $0xA;
	s2 =	sadd.s32 s3, s2  }
0x8d: {  	s2 =	sadd.s32 s2, s17  }
0x8e: {  	[smem:$0x3FB5] =	sst s2  }
0x8f: {  	_ = 	snop  }
0x90: {  	s2 =	sld [smem:$0x3FD0];
	(tm) =	ssettm $0x1  }
0x91: {  	s18 =	sld [smem:$0x3FFB];
	_ =	sdelay $0x3  }
0x92: {  	_ =	strace s18  }
0x93: {  	s3 =	sld [smem:$0x3FFC];
	_ =	sdelay $0x3  }
0x94: {  	_ =	strace s3  }
0x95: {  	s3 =	sld [smem:$0x3FFD];
	_ =	sdelay $0x3  }
0x96: {  	_ =	strace s3  }
0x97: {  	_ =	strace $0x8FFFFFFF  }
0x98: {  	s19 =	sld [smem:$0x3FDB];
	_ =	sdelay $0x1  }
0x99: {  	s4 =	simm.s32 $_scs_section_size  }
0x9a: {  	s5 =	simm.s32 $_size__tile_overlayer_lowered;
	s6 =	simm.s32 $_tile_overlayer_lowered  }
0x9b: {  	s22 =	simm.s32 $0x1BFF;
	s21 =	sshll.u32 s6, $0x1;
	s3 =	sadd.s32 s4, s19  }
0x9c: {  	s7 =	simm.s32 $0x0;
	s20 =	sshll.u32 s5, $0x1;
	s5 =	sadd.s32 s21, s3  }
0x9d: {  	[timem:s7], [sflag:s22] =	dma.local [hbm:s5], s20  }
0x9e: {  	_ =	swait.ge [sflag:s22], s20  }
0x9f: {  	s4 =	ssub.s32 $0x0, s20;
	[sflag:s22] =	ssyncset.done $0x0  }
0xa0: {  	[sflag:s22] =	ssyncadd.s32 s4;
	_ =	sdelay $0x1  }
0xa1: {  	s23 =	simm.s32 $0x1B8B  }
0xa2: {  	_ =	swait.ge [sflag:s23], $0x1  }
0xa3: {  	[sflag:s23] =	ssyncset.done $0x0  }
0xa4: {  	s25 =	simm.s32 $0x1B8E;
	s24 =	sld [smem:$0x3FFE];
	[sflag:s23] =	ssyncadd.s32 $0xFFFFFFFF  }
0xa5: {  	s26 =	simm.s32 $execute0_lowered;
	[smem:$0x3FD2] =	sst s25  }
0xa6: {  	s5 =	sshll.u32 s26, $0x1;
	_ =	strace $0x80000049;
	[dreg:$0x1] =	wrdreg $0xFFFFFFFF  }
0xa7: {  	s28 =	simm.s32 $_size_execute0_lowered;
	s3 =	sadd.s32 s3, s5;
	[dreg:$0x0] =	wrdreg $0x0  }
0xa8: {  	s5 =	sshll.u32 s28, $0x1;
	[dreg:$0x2] =	wrdreg s3  }
0xa9: {  	[dreg:$0x3] =	wrdreg s5  }
0xaa: {  	[dreg:$0x4] =	wrdreg $0xC0  }
0xab: {  	_ =	task [dreg:s7], $0x5FFFF  }
0xac: {  	[dreg:$0x1] =	wrdreg $0xFFFFFFFF  }
0xad: {  	[dreg:$0x0] =	wrdreg $0x60  }
0xae: {  	[dreg:$0x2] =	wrdreg s24  }
0xaf: {  	[dreg:$0x3] =	wrdreg s2  }
0xb0: {  	[dreg:$0x4] =	wrdreg $0x154000  }
0xb1: {  	[dreg:$0x5] =	wrdreg $0x184000  }
0xb2: {  	[dreg:$0x6] =	wrdreg $0x9  }
0xb3: {  	_ =	task.clear_ibuf [dreg:s7], $0x7FFFF;
	_ =	strace $0x90000049  }
0xb4: {  	s29 =	simm.s32 $0x9;
	_ =	strace $0x8000004B  }
0xb5: {  	_ =	swait.ge [sflag:s29], $0x1  }
0xb6: {  	[sflag:s29] =	ssyncadd.s32 $0xFFFFFFFF  }
0xb7: {  	_ =	strace $0x9000004B  }
0xb8: {  	_ =	sfence  }
0xb9: {  	s30 =	sld [smem:$0x0];
	_ =	sdelay $0x2  }
0xba: {  	s31 =	sshll.u32 s1, $0xD;
	s1 =	sshrl.u32 s1, $0x2  }
0xbb: {  	s3 =	sand.u32 $0x4000, s31;
	s1 =	sadd.s32 s1, s30  }
0xbc: {  	s0 =	sor.u32 s3, s0;
	s1 =	sshll.u32 s1, $0x11  }
0xbd: {  	s0 =	sor.u32 s1, s0  }
0xbe: {  	s0 =	sadd.s32 $0x8F2B, s0  }
0xbf: {  	[sflag:s0] =	ssyncadd.remote.s32 $0x1  }
0xc0: {  	_ =	sfence.sel $0xFFFF  }
0xc1: {  	[dreg:$0x0] =	wrdreg $0xFFFFFFFF;
	(pc) =	sbr.abs _section_cstart, $3  }
0xc2: {  	[dreg:$0x1] =	wrdreg $0xFFFFFFFF  }
0xc3: {  	_ =	task.clear_ibuf [dreg:s7], $0x2FFFF;
	_ =	strace $0x9FFFFFFF  }
0xc4: {  	(tm) =	ssettm $0x7FFFFFFF  }
0xc5: {  	_ =	shalt  }
tec
execute0_lowered:
.L_overlay_start_1:
0x0: {  	(tag) =	ssettag $0x1  }
0x1: {  	s7 =	rddreg [dreg:$0x0]  }
0x2: {  	s1 =	srdreg.scid;
	s2 =	rddreg [dreg:$0x1]  }
0x3: {  	s0 =	stileid.u32;
	s3 =	rddreg [dreg:$0x2]  }
0x4: {  	s4 =	rddreg [dreg:$0x3];
	s5 =	simm.s32 $0x0;
	s17 =	simm.s32 $0x80  }
0x5: {  	s8 =	sand.u32 $0x1, s1;
	s30 =	sshll.u32 s0, $0x1;
	s10 =	smul.u32 $0x2800, s0  }
0x6: {  	s18 =	simm.s32 $0x0;
	s1 =	sor.u32 s8, s30;
	s11 =	smul.u32 $0x28000, s8  }
0x7: {  	[smem:$0x7FF] =	sst s5;
	s13 =	sshll.u32 s0, $0x6;
	s6 =	smul.u32 $0x2800, s1  }
0x8: {  	s8 =	ssub.s32 $0x2, s8;
	s9 =	smul.u32 $0x280, s1;
	s1 =	rddreg [dreg:$0x4]  }
0x9: {  	_ =	strace $0x8000004A;
	s31 =	sshrl.u32 s8, $0x1;
	s15 =	sadd.s32 s10, s3  }
0xa: {  	s16 =	sadd.s32 s10, s4;
	s11 =	sadd.s32 s10, s11;
	s14 =	ssub.s32 s8, s31  }
0xb: {  	s12 =	sadd.s32 s6, s7;
	s9 =	sadd.s32 s9, s7;
	s11 =	sshrl.u32 s11, $0x3  }
0xc: {  	s6 =	sadd.s32 $0x59C00, s7;
	s11 =	sadd.s32 s11, s7;
	s7 =	sor.u32 $0x1C01, s13  }
0xd: {  	s8 =	sadd.s32 $0x4FFC00, s9;
	s9 =	sadd.s32 $0x9C00, s12;
	s12 =	smax.u32 s14, $0x1  }
0xe: {  	s13 =	sshrl.u32 s15, $0x3;
	s14 =	simm.s32 $0x1;
	s15 =	sshrl.u32 s16, $0x3  }
0xf: {  	s16 =	simm.s32 $0x17C00;
	s10 =	sadd.s32 $0x64200, s11;
	s11 =	sadd.s32 $0x5A200, s11  }
.LBB2_1:
0x10: {  	[spmem:s13], [sflag:s7] =	dma.local [hbm:s6], $0x500  }
0x11: {  	_ =	swait.ge [sflag:s14], $0x500  }
0x12: {  	[sflag:s14] =	ssyncset.done $0x0  }
0x13: {  	[sflag:s14] =	ssyncadd.s32 $0xFFFFFB00  }
0x14: {  	[spmem:s15], [sflag:s7] =	dma.local [hbm:s6], $0x500  }
0x15: {  	_ =	swait.ge [sflag:s14], $0x500  }
0x16: {  	[sflag:s14] =	ssyncset.done $0x0  }
0x17: {  	[sflag:s14] =	ssyncadd.s32 $0xFFFFFB00  }
0x18: {  	[tilespmem:s16], [sflag:$0x1] =	stream.linear.gather [hbm4b:s2+s5], $0x800, $0x38;
	[tilespmem:$0x1AC00] =	vst v63  }
0x19: {  	_ =	swait.ge [sflag:s14], $0x800  }
0x1a: {  	[sflag:s14] =	ssyncset.done $0x0  }
0x1b: {  	[sflag:s14] =	ssyncadd.s32 $0xFFFFF800  }
0x1c: {  	[tilespmem:s5], [sflag:$0x1] =	stream.linear.gather [hbm4b:s8+s5], $0x1400, $0x38;
	[tilespmem:$0x1AC00] =	vst v63  }
0x1d: {  	_ =	swait.ge [sflag:s14], $0x1400  }
0x1e: {  	[sflag:s14] =	ssyncset.done $0x0  }
0x1f: {  	s19 =	simm.s32 $0x1400;
	[sflag:s14] =	ssyncadd.s32 $0xFFFFEC00  }
0x20: {  	[tilespmem:s19], [sflag:$0x1] =	stream.linear.gather [hbm4b:s9+s5], $0x14000, $0x38;
	[tilespmem:$0x1AC00] =	vst v63  }
0x21: {  	_ =	swait.ge [sflag:s14], $0x14000  }
0x22: {  	[sflag:s14] =	ssyncset.done $0x0  }
0x23: {  	[sflag:s14] =	ssyncadd.s32 $0xFFFEC000  }
0x24: {  	s20 =	simm.s32 $0x0;
	[bflag:$0x0] =	sbarrier.arrive $0xFFFF  }
0x25: {  	[spmem:s3] =	stream.indirect.scatter.add.f32 [tilespmem:s19], [sflag:$0x1], $0x10, s20, s17, $0xb8;
	[tilespmem:$0x1AC00] =	vst v63  }
0x26: {  	_ =	swait.ge [sflag:s14], $0x800  }
0x27: {  	[sflag:s14] =	ssyncset.done $0x0  }
0x28: {  	[sflag:s14] =	ssyncadd.s32 $0xFFFFF800  }
0x29: {  	[spmem:s4] =	stream.indirect.scatter.add.f32 [tilespmem:s16], [sflag:$0x1], $0x10, s20, s17, $0xb8;
	[tilespmem:$0x1AC00] =	vst v63  }
0x2a: {  	s21 =	simm.s32 $0x400;
	_ =	swait.ge [sflag:s14], $0x800  }
0x2b: {  	s19 =	simm.s32 $0x200;
	s20 =	simm.s32 $0x1C00;
	[sflag:s14] =	ssyncset.done $0x0  }
.LBB2_2:
0x2c: {  	s22 =	sshra.s32 s19, $0x2  }
0x2d: {  	[sflag:s14] =	ssyncadd.s32 $0xFFFFF800;
	s19 =	smov.u32 s21;
	s23 =	sadd.s32 $0x200, s21  }
0x2e: {  	[spmem:s3] =	stream.indirect.scatter.add.f32 [tilespmem:s20], [sflag:$0x1], $0x10, s22, s17, $0xb8;
	[tilespmem:$0x1AC00] =	vst v63  }
0x2f: {  	p0 =	sne.s32 s21, $0x4E00;
	_ =	swait.ge [sflag:s14], $0x800  }
.Ltmp0:
0x30: {  	[sflag:s14] =	ssyncset.done $0x0;
	(pc) =	sbr.rel @p0 .LBB2_2-.Ltmp0, $4  }
0x31: {  	[sflag:s14] =	ssyncadd.s32 $0xFFFFF800  }
0x32: {  	[spmem:s4] =	stream.indirect.scatter.add.f32 [tilespmem:s16], [sflag:$0x1], $0x10, s22, s17, $0xb8;
	[tilespmem:$0x1AC00] =	vst v63  }
0x33: {  	_ =	swait.ge [sflag:s14], $0x800  }
0x34: {  	s20 =	sadd.s32 $0x800, s20;
	s21 =	smov.u32 s23;
	[sflag:s14] =	ssyncset.done $0x0  }
0x35: {  	s19 =	sshra.s32 s19, $0x2;
	[sflag:s14] =	ssyncadd.s32 $0xFFFFF800  }
0x36: {  	[spmem:s3] =	stream.indirect.scatter.add.f32 [tilespmem:s20], [sflag:$0x1], $0x10, s19, s17, $0xb8;
	[tilespmem:$0x1AC00] =	vst v63  }
0x37: {  	_ =	swait.ge [sflag:s14], $0x800  }
0x38: {  	[sflag:s14] =	ssyncset.done $0x0  }
0x39: {  	[sflag:s14] =	ssyncadd.s32 $0xFFFFF800  }
0x3a: {  	[spmem:s4] =	stream.indirect.scatter.add.f32 [tilespmem:s16], [sflag:$0x1], $0x10, s19, s17, $0xb8;
	[tilespmem:$0x1AC00] =	vst v63  }
0x3b: {  	_ =	swait.ge [sflag:s14], $0x800  }
0x3c: {  	[sflag:s14] =	ssyncset.done $0x0  }
0x3d: {  	[sflag:s14] =	ssyncadd.s32 $0xFFFFF800  }
0x3e: {  	[bflag:$0x0] =	sbarrier.arrive $0xFFFF  }
0x3f: {  	[hbm:s10], [sflag:s7] =	dma.local [spmem:s13], $0x500  }
0x40: {  	s18 =	sadd.s32 $0x1, s18;
	_ =	swait.ge [sflag:s14], $0x500  }
0x41: {  	p0 =	sne.s32 s18, s12;
	[sflag:s14] =	ssyncset.done $0x0  }
.Ltmp1:
0x42: {  	[sflag:s14] =	ssyncadd.s32 $0xFFFFFB00;
	(pc) =	sbr.rel @p0 .LBB2_1-.Ltmp1, $4  }
0x43: {  	[hbm:s11], [sflag:s7] =	dma.local [spmem:s15], $0x500  }
0x44: {  	_ =	swait.ge [sflag:s14], $0x500  }
0x45: {  	[sflag:s14] =	ssyncset.done $0x0  }
0x46: {  	[sflag:s14] =	ssyncadd.s32 $0xFFFFFB00  }
0x47: {  	_ =	sfence.sel $0x180000  }
0x48: {  	[bflag:$0x0] =	sbarrier.arrive $0xFFFF  }
0x49: {  	p0 =	sne.s32 s0, $0x0;
	_ =	strace $0x9000004A  }
0x4a: {  	s0 =	sadd.s32 @!p0 $0x100000, s1;
	[bflag:$0x2] =	sbarrier.arrive $0xFFFF  }
0x4b: {  	[sflag:s0] =	ssyncadd.tile.s32 @!p0 $0x1;
	_ =	shalt  }
.Lfunc_end2:
_tile_overlayer_lowered:
.L_overlay_start_2:
0x4c: {  	(tag) =	ssettag $0x2  }
0x4d: {  	s0 =	rddreg [dreg:$0x0];
	s2 =	stileid.u32  }
0x4e: {  	s1 =	rddreg [dreg:$0x1];
	p0 =	sne.s32 s2, $0x0  }
0x4f: {  	s3 =	rddreg [dreg:$0x2];
	[bflag:$0x3] =	sbarrier.arrive $0xFFFF;
	s2 =	simm.s32 @!p0 $0x1C01  }
0x50: {  	[timem:s3], [sflag:s2] =	dma.local @!p0 [hbm:s0], s1  }
0x51: {  	s0 =	simm.s32 @!p0 $0x1  }
0x52: {  	_ =	swait.ge @!p0 [sflag:s0], s1  }
0x53: {  	s1 =	ssub.s32 @!p0 $0x0, s1;
	[sflag:s0] =	ssyncset.done @!p0 $0x0  }
0x54: {  	[sflag:s0] =	ssyncadd.s32 @!p0 s1  }
0x55: {  	[bflag:$0x3] =	sbarrier.arrive $0xFFFF  }
0x56: {  	_ =	shalt  }

// kernel: kernel.20.cloned.1.call-start
scs
__scs_entry_jumppad:
0x0: {  	(pc) =	sbr.rel $0x88, $3  }
0x1: {  	(tag) =	ssettag $0x0;
	lr =	simm.s32 $0x1  }
0x2: {  	[smem:$0x3F8E] =	sst lr;
	_ =	strace $0xD0000000  }
0x3: {  	_ = 	snop  }
0x4: {  	_ = 	snop  }
0x5: {  	_ = 	snop  }
0x6: {  	_ = 	snop  }
0x7: {  	_ = 	snop  }
__scs_overlays_trampoline_lowered:
0x8: {  	[smem:$0x3F9D] =	sst s0  }
0x9: {  	[smem:$0x3F9E] =	sst s1  }
0xa: {  	[smem:$0x3F9F] =	sst s2  }
0xb: {  	[smem:$0x3FA0] =	sst s3  }
0xc: {  	[smem:$0x3FA1] =	sst s4  }
0xd: {  	[smem:$0x3FA2] =	sst s5  }
0xe: {  	[smem:$0x3FA3] =	sst s6  }
0xf: {  	[smem:$0x3FA4] =	sst s7  }
0x10: {  	[smem:$0x3FA5] =	sst s8  }
0x11: {  	[smem:$0x3FA6] =	sst s9;
	s0 =	simm.s32 @!p0 $0x0  }
0x12: {  	s1 =	sld [smem:$0x3F8C];
	s0 =	simm.s32 @p0 $0x1  }
0x13: {  	[smem:$0x3FA7] =	sst s0;
	s0 =	simm.s32 @!p1 $0x0  }
0x14: {  	s2 =	sld [smem:$0x3F8B];
	s0 =	simm.s32 @p1 $0x1  }
0x15: {  	[smem:$0x3FA8] =	sst s0;
	s0 =	simm.s32 @!p2 $0x0  }
0x16: {  	s3 =	sld [smem:$0x3FDB];
	s0 =	simm.s32 @p2 $0x1  }
0x17: {  	s4 =	simm.s32 $0x1BF5;
	[smem:$0x3FAA] =	sst s0  }
0x18: {  	s0 =	sld [smem:$0x3F8D];
	_ =	swait.ge [sflag:s4], $0x0  }
0x19: {  	s7 =	sld [smem:$0x3F8E]  }
0x1a: {  	s8 =	sadd.s32 $0xFFFFE003, lr  }
0x1b: {  	s9 =	sadd.s32 $0xFFFFFEF7, lr;
	s5 =	simm.s32 $0xFFFFFFFF;
	p2 =	slt.u32 s8, $0xFFFFF086  }
0x1c: {  	p1 =	slt.u32 s9, $0xF7A;
	s5 =	simm.s32 @!p2 $0x0  }
0x1d: {  	s5 =	simm.s32 @p1 $0x1;
	p0 =	seq.s32 s7, s2  }
0x1e: {  	s7 =	smul.u32 @!p0 $0xF7A, s2;
	p2 =	seq.s32 @!p0 s5, $0x0  }
0x1f: {  	s9 =	smul.u32 $0xF7A, s1;
	s8 =	simm.s32 @!p0 $0x1BF5;
	p2 =	por !p2, p0  }
0x20: {  	[sflag:s8] =	ssyncset.s32 @!p0 $0xFFFFF086;
	s6 =	sadd.s32 @!p0 s3, s7;
	s7 =	simm.s32 @!p0 $0x108  }
0x21: {  	s3 =	sadd.s32 s3, s9;
	s6 =	sadd.s32 @!p0 $0x88, s6;
	s7 =	simm.s32 @p2 $0x1082  }
0x22: {  	[simem:s7], [sflag:s8] =	dma.local @!p0 [hbm:s6], $0xF7A  }
0x23: {  	s9 =	sor.u32 $0xD0000000, s2;
	s6 =	simm.s32 $0x108;
	_ =	swait.ge @!p0 [sflag:s8], $0x0  }
0x24: {  	s3 =	sadd.s32 $0x88, s3;
	s6 =	simm.s32 @!p1 $0x1082;
	[sflag:s4] =	ssyncset.s32 $0xFFFFF086  }
0x25: {  	[simem:s6], [sflag:s4] =	dma.local [hbm:s3], $0xF7A  }
0x26: {  	[smem:$0x3F8E] =	sst s1;
	(tag) =	ssettag s2;
	_ =	strace s9  }
0x27: {  	s1 =	sld [smem:$0x3F9E]  }
0x28: {  	s2 =	sld [smem:$0x3F9F]  }
0x29: {  	s4 =	sld [smem:$0x3FA1]  }
0x2a: {  	p0 =	seq.s32 s5, $0x0;
	s5 =	sld [smem:$0x3FA2]  }
0x2b: {  	s6 =	sld [smem:$0x3FA3]  }
0x2c: {  	s7 =	sld [smem:$0x3FA4]  }
0x2d: {  	s3 =	simm.s32 $0x108;
	s8 =	sld [smem:$0x3FA5]  }
0x2e: {  	s3 =	simm.s32 @!p0 $0x1082;
	s9 =	sld [smem:$0x3FA6]  }
0x2f: {  	lr =	sadd.s32 s0, s3;
	s0 =	sld [smem:$0x3F9D]  }
0x30: {  	s3 =	sld [smem:$0x3FA0]  }
0x31: {  	[smem:$0x3FA9] =	sst s10  }
0x32: {  	s10 =	sld [smem:$0x3FA7];
	_ =	sdelay $0x3  }
0x33: {  	p0 =	seq.s32 s10, $0x1;
	s10 =	sld [smem:$0x3FA9];
	_ =	sdelay $0x3  }
0x34: {  	[smem:$0x3FA9] =	sst s10  }
0x35: {  	s10 =	sld [smem:$0x3FA8];
	_ =	sdelay $0x3  }
0x36: {  	p1 =	seq.s32 s10, $0x1;
	s10 =	sld [smem:$0x3FA9];
	_ =	sdelay $0x3  }
0x37: {  	[smem:$0x3FA9] =	sst s10  }
0x38: {  	s10 =	sld [smem:$0x3FAA]  }
0x39: {  	_ = 	snop;
	(pc) =	sbr.ind lr, $3  }
0x3a: {  	_ = 	snop  }
0x3b: {  	_ = 	snop  }
0x3c: {  	p2 =	seq.s32 s10, $0x1;
	s10 =	sld [smem:$0x3FA9]  }
0x3d: {  	_ =	shalt  }
0x3e: {  	_ =	shalt  }
0x3f: {  	_ =	shalt  }
0x40: {  	_ =	shalt  }
0x41: {  	_ =	shalt  }
0x42: {  	_ =	shalt  }
0x43: {  	_ =	shalt  }
0x44: {  	_ =	shalt  }
0x45: {  	_ =	shalt  }
0x46: {  	_ =	shalt  }
0x47: {  	_ =	shalt  }
0x48: {  	_ =	shalt  }
0x49: {  	_ =	shalt  }
0x4a: {  	_ =	shalt  }
0x4b: {  	_ =	shalt  }
0x4c: {  	_ =	shalt  }
0x4d: {  	_ =	shalt  }
0x4e: {  	_ =	shalt  }
0x4f: {  	_ =	shalt  }
0x50: {  	_ =	shalt  }
0x51: {  	_ =	shalt  }
0x52: {  	_ =	shalt  }
0x53: {  	_ =	shalt  }
0x54: {  	_ =	shalt  }
0x55: {  	_ =	shalt  }
0x56: {  	_ =	shalt  }
0x57: {  	_ =	shalt  }
0x58: {  	_ =	shalt  }
0x59: {  	_ =	shalt  }
0x5a: {  	_ =	shalt  }
0x5b: {  	_ =	shalt  }
0x5c: {  	_ =	shalt  }
0x5d: {  	_ =	shalt  }
0x5e: {  	_ =	shalt  }
0x5f: {  	_ =	shalt  }
0x60: {  	_ =	shalt  }
0x61: {  	_ =	shalt  }
0x62: {  	_ =	shalt  }
0x63: {  	_ =	shalt  }
0x64: {  	_ =	shalt  }
0x65: {  	_ =	shalt  }
0x66: {  	_ =	shalt  }
0x67: {  	_ =	shalt  }
0x68: {  	_ =	shalt  }
0x69: {  	_ =	shalt  }
0x6a: {  	_ =	shalt  }
0x6b: {  	_ =	shalt  }
0x6c: {  	_ =	shalt  }
0x6d: {  	_ =	shalt  }
0x6e: {  	_ =	shalt  }
0x6f: {  	_ =	shalt  }
0x70: {  	_ =	shalt  }
0x71: {  	_ =	shalt  }
0x72: {  	_ =	shalt  }
0x73: {  	_ =	shalt  }
0x74: {  	_ =	shalt  }
0x75: {  	_ =	shalt  }
0x76: {  	_ =	shalt  }
0x77: {  	_ =	shalt  }
0x78: {  	_ =	shalt  }
0x79: {  	_ =	shalt  }
0x7a: {  	_ =	shalt  }
0x7b: {  	_ =	shalt  }
0x7c: {  	_ =	shalt  }
0x7d: {  	_ =	shalt  }
0x7e: {  	_ =	shalt  }
0x7f: {  	_ =	shalt  }
0x80: {  	_ =	shalt  }
0x81: {  	_ =	shalt  }
0x82: {  	_ =	shalt  }
0x83: {  	_ =	shalt  }
0x84: {  	_ =	shalt  }
0x85: {  	_ =	shalt  }
0x86: {  	_ =	shalt  }
0x87: {  	_ =	shalt  }
.Lfunc_end0:
.L_simem_size_0:
called_computation.2_lowered:
.L_overlay_start_0:
0x88: {  	s2 =	sld [smem:$0x3FD9]  }
0x89: {  	s3 =	sld [smem:$0x3FFE];
	_ =	sdelay $0x1  }
0x8a: {  	s1 =	srdreg.scid  }
0x8b: {  	s0 =	sand.u32 $0x1, s1  }
0x8c: {  	s16 =	sshll.u32 s0, $0xA;
	s2 =	sadd.s32 s3, s2  }
0x8d: {  	s2 =	sadd.s32 s2, s16  }
0x8e: {  	[smem:$0x3FB5] =	sst s2  }
0x8f: {  	_ = 	snop  }
0x90: {  	(tm) =	ssettm $0x1  }
0x91: {  	s17 =	sld [smem:$0x3FFB];
	_ =	sdelay $0x3  }
0x92: {  	_ =	strace s17  }
0x93: {  	s2 =	sld [smem:$0x3FFC];
	_ =	sdelay $0x3  }
0x94: {  	_ =	strace s2  }
0x95: {  	s2 =	sld [smem:$0x3FFD];
	_ =	sdelay $0x3  }
0x96: {  	_ =	strace s2  }
0x97: {  	_ =	strace $0x8FFFFFFF  }
0x98: {  	s18 =	sld [smem:$0x3FDB];
	_ =	sdelay $0x1  }
0x99: {  	s19 =	simm.s32 $_scs_section_size  }
0x9a: {  	s4 =	simm.s32 $_size__tile_overlayer_lowered;
	s5 =	simm.s32 $_tile_overlayer_lowered  }
0x9b: {  	s22 =	simm.s32 $0x1BFF;
	s21 =	sshll.u32 s5, $0x1;
	s2 =	sadd.s32 s19, s18  }
0x9c: {  	s6 =	simm.s32 $0x0;
	s20 =	sshll.u32 s4, $0x1;
	s4 =	sadd.s32 s21, s2  }
0x9d: {  	[timem:s6], [sflag:s22] =	dma.local [hbm:s4], s20  }
0x9e: {  	_ =	swait.ge [sflag:s22], s20  }
0x9f: {  	s3 =	ssub.s32 $0x0, s20;
	[sflag:s22] =	ssyncset.done $0x0  }
0xa0: {  	[sflag:s22] =	ssyncadd.s32 s3;
	_ =	sdelay $0x1  }
0xa1: {  	s23 =	simm.s32 $0x1B8B  }
0xa2: {  	_ =	swait.ge [sflag:s23], $0x1  }
0xa3: {  	[sflag:s23] =	ssyncset.done $0x0  }
0xa4: {  	s25 =	simm.s32 $0x1B8E;
	s24 =	sld [smem:$0x3FFE];
	[sflag:s23] =	ssyncadd.s32 $0xFFFFFFFF  }
0xa5: {  	s26 =	simm.s32 $execute0_lowered;
	[smem:$0x3FD2] =	sst s25  }
0xa6: {  	s4 =	sshll.u32 s26, $0x1;
	_ =	strace $0x8000004C;
	[dreg:$0x1] =	wrdreg $0xFFFFFFFF  }
0xa7: {  	s28 =	simm.s32 $_size_execute0_lowered;
	s2 =	sadd.s32 s2, s4;
	[dreg:$0x0] =	wrdreg $0x0  }
0xa8: {  	s4 =	sshll.u32 s28, $0x1;
	[dreg:$0x2] =	wrdreg s2  }
0xa9: {  	[dreg:$0x3] =	wrdreg s4  }
0xaa: {  	[dreg:$0x4] =	wrdreg $0xC0  }
0xab: {  	_ =	task [dreg:s6], $0x5FFFF  }
0xac: {  	[dreg:$0x1] =	wrdreg $0xFFFFFFFF  }
0xad: {  	[dreg:$0x0] =	wrdreg $0x60  }
0xae: {  	[dreg:$0x2] =	wrdreg s24  }
0xaf: {  	[dreg:$0x3] =	wrdreg $0x9  }
0xb0: {  	_ =	task.clear_ibuf [dreg:s6], $0x4FFFF;
	_ =	strace $0x9000004C  }
0xb1: {  	s29 =	simm.s32 $0x9;
	_ =	strace $0x8000004E  }
0xb2: {  	_ =	swait.ge [sflag:s29], $0x1  }
0xb3: {  	[sflag:s29] =	ssyncadd.s32 $0xFFFFFFFF  }
0xb4: {  	_ =	strace $0x9000004E  }
0xb5: {  	_ =	sfence  }
0xb6: {  	s30 =	sld [smem:$0x0];
	_ =	sdelay $0x2  }
0xb7: {  	s31 =	sshll.u32 s1, $0xD;
	s1 =	sshrl.u32 s1, $0x2  }
0xb8: {  	s3 =	sand.u32 $0x4000, s31;
	s1 =	sadd.s32 s1, s30  }
0xb9: {  	s0 =	sor.u32 s3, s0;
	s1 =	sshll.u32 s1, $0x11  }
0xba: {  	s0 =	sor.u32 s1, s0  }
0xbb: {  	s0 =	sadd.s32 $0x8F2B, s0  }
0xbc: {  	[sflag:s0] =	ssyncadd.remote.s32 $0x1  }
0xbd: {  	_ =	sfence.sel $0xFFFF  }
0xbe: {  	[dreg:$0x0] =	wrdreg $0xFFFFFFFF;
	(pc) =	sbr.abs _section_cstart, $3  }
0xbf: {  	[dreg:$0x1] =	wrdreg $0xFFFFFFFF  }
0xc0: {  	_ =	task.clear_ibuf [dreg:s6], $0x2FFFF;
	_ =	strace $0x9FFFFFFF  }
0xc1: {  	(tm) =	ssettm $0x7FFFFFFF  }
tec
execute0_lowered:
.L_overlay_start_1:
0x0: {  	(tag) =	ssettag $0x1  }
0x1: {  	s1 =	srdreg.scid  }
0x2: {  	s0 =	stileid.u32;
	s4 =	rddreg [dreg:$0x0];
	s2 =	simm.s32 $0x0  }
0x3: {  	s11 =	simm.s32 $0x0;
	s5 =	sand.u32 $0x1, s1;
	s1 =	rddreg [dreg:$0x1]  }
0x4: {  	s3 =	sshll.u32 s0, $0x1;
	[smem:$0x7FF] =	sst s2;
	s7 =	smul.u32 $0x5000, s0  }
0x5: {  	s3 =	sor.u32 s5, s3;
	_ =	strace $0x8000004D;
	s10 =	smul.u32 $0x2800, s5  }
0x6: {  	s8 =	ssub.s32 $0x2, s5;
	s6 =	smul.u32 $0x280, s3;
	s3 =	sadd.s32 $0x54C00, s4  }
0x7: {  	s9 =	sshrl.u32 s8, $0x1;
	s30 =	sadd.s32 s7, s4;
	s7 =	simm.s32 $0x2  }
0x8: {  	s31 =	ssub.s32 s8, s9;
	s8 =	simm.s32 $0x80;
	s9 =	simm.s32 $0x1400  }
0x9: {  	s29 =	sadd.s32 s6, s4;
	s5 =	smax.u32 s31, $0x1;
	s6 =	sadd.s32 s10, s30  }
0xa: {  	s10 =	simm.s32 $0x1;
	s4 =	sadd.s32 $0x6E200, s29;
	s6 =	sadd.s32 $0x73200, s6  }
.LBB2_1:
0xb: {  	[tilespmem:s2], [sflag:$0x2] =	stream.linear.gather [hbm4b:s4+s2], $0x1400, $0x38;
	[tilespmem:$0x1C00] =	vst v63  }
0xc: {  	_ =	swait.ge [sflag:s7], $0x1400  }
0xd: {  	[sflag:s7] =	ssyncset.done $0x0  }
0xe: {  	[sflag:s7] =	ssyncadd.s32 $0xFFFFEC00  }
0xf: {  	[tilespmem:s9], [sflag:$0x1] =	stream.indirect.gather [hbm4b:s3+s8], $0x10, s2, s8, $0xb8;
	[tilespmem:$0x1C00] =	vst v63  }
0x10: {  	_ =	swait.ge [sflag:s10], $0x800  }
0x11: {  	[sflag:s10] =	ssyncset.done $0x0  }
0x12: {  	s12 =	sadd.s32 $0x0, s6;
	[sflag:s10] =	ssyncadd.s32 $0xFFFFF800  }
0x13: {  	[hbm4b:s12+s2] =	stream.linear.scatter [tilespmem:s9], [sflag:$0x2], $0x800, $0x38;
	[tilespmem:$0x1C00] =	vst v63  }
0x14: {  	_ =	swait.ge [sflag:s7], $0x800  }
0x15: {  	s13 =	simm.s32 $0x0;
	s12 =	simm.s32 $0x100;
	[sflag:s7] =	ssyncset.done $0x0  }
.LBB2_2:
0x16: {  	p0 =	sne.s32 s12, $0x2700;
	[sflag:s7] =	ssyncadd.s32 $0xFFFFF800;
	s13 =	sadd.s32 $0x80, s13  }
0x17: {  	[tilespmem:s9], [sflag:$0x1] =	stream.indirect.gather [hbm4b:s3+s8], $0x10, s13, s8, $0xb8;
	[tilespmem:$0x1C00] =	vst v63  }
0x18: {  	s14 =	smov.u32 s12;
	s12 =	sadd.s32 $0x100, s12;
	_ =	swait.ge [sflag:s10], $0x800  }
.Ltmp0:
0x19: {  	[sflag:s10] =	ssyncset.done $0x0;
	(pc) =	sbr.rel @p0 .LBB2_2-.Ltmp0, $4  }
0x1a: {  	s14 =	sadd.s32 s14, s6;
	[sflag:s10] =	ssyncadd.s32 $0xFFFFF800  }
0x1b: {  	[hbm4b:s14+s2] =	stream.linear.scatter [tilespmem:s9], [sflag:$0x2], $0x800, $0x38;
	[tilespmem:$0x1C00] =	vst v63  }
0x1c: {  	_ =	swait.ge [sflag:s7], $0x800  }
0x1d: {  	[sflag:s7] =	ssyncset.done $0x0  }
0x1e: {  	s11 =	sadd.s32 $0x1, s11  }
0x1f: {  	p0 =	sne.s32 s11, s5  }
.Ltmp1:
0x20: {  	_ = 	snop;
	(pc) =	sbr.rel @p0 .LBB2_1-.Ltmp1, $2  }
0x21: {  	_ =	sdelay $0x2  }
0x22: {  	[sflag:s7] =	ssyncadd.s32 $0xFFFFF800  }
0x23: {  	_ =	sfence.sel $0x180000  }
0x24: {  	[bflag:$0x0] =	sbarrier.arrive $0xFFFF  }
0x25: {  	p0 =	sne.s32 s0, $0x0;
	_ =	strace $0x9000004D  }
0x26: {  	s0 =	sadd.s32 @!p0 $0x100000, s1;
	[bflag:$0x2] =	sbarrier.arrive $0xFFFF  }
0x27: {  	[sflag:s0] =	ssyncadd.tile.s32 @!p0 $0x1;
	_ =	shalt  }
.Lfunc_end2:
_tile_overlayer_lowered:
.L_overlay_start_2:
0x28: {  	(tag) =	ssettag $0x2  }
0x29: {  	s0 =	rddreg [dreg:$0x0];
	s2 =	stileid.u32  }
0x2a: {  	s1 =	rddreg [dreg:$0x1];
	p0 =	sne.s32 s2, $0x0  }
0x2b: {  	s3 =	rddreg [dreg:$0x2];
	[bflag:$0x3] =	sbarrier.arrive $0xFFFF;
	s2 =	simm.s32 @!p0 $0x1C02  }
0x2c: {  	[timem:s3], [sflag:s2] =	dma.local @!p0 [hbm:s0], s1  }
0x2d: {  	s0 =	simm.s32 @!p0 $0x2  }
0x2e: {  	_ =	swait.ge @!p0 [sflag:s0], s1  }
0x2f: {  	s1 =	ssub.s32 @!p0 $0x0, s1;
	[sflag:s0] =	ssyncset.done @!p0 $0x0  }
0x30: {  	[sflag:s0] =	ssyncadd.s32 @!p0 s1  }
0x31: {  	[bflag:$0x3] =	sbarrier.arrive $0xFFFF  }
0x32: {  	_ =	shalt  }

// kernel: kernel.23.cloned.1.call-start
scs
__scs_entry_jumppad:
0x0: {  	(pc) =	sbr.rel $0x88, $3  }
0x1: {  	(tag) =	ssettag $0x0;
	lr =	simm.s32 $0x1  }
0x2: {  	[smem:$0x3F8E] =	sst lr;
	_ =	strace $0xD0000000  }
0x3: {  	_ = 	snop  }
0x4: {  	_ = 	snop  }
0x5: {  	_ = 	snop  }
0x6: {  	_ = 	snop  }
0x7: {  	_ = 	snop  }
__scs_overlays_trampoline_lowered:
0x8: {  	[smem:$0x3F9D] =	sst s0  }
0x9: {  	[smem:$0x3F9E] =	sst s1  }
0xa: {  	[smem:$0x3F9F] =	sst s2  }
0xb: {  	[smem:$0x3FA0] =	sst s3  }
0xc: {  	[smem:$0x3FA1] =	sst s4  }
0xd: {  	[smem:$0x3FA2] =	sst s5  }
0xe: {  	[smem:$0x3FA3] =	sst s6  }
0xf: {  	[smem:$0x3FA4] =	sst s7  }
0x10: {  	[smem:$0x3FA5] =	sst s8  }
0x11: {  	[smem:$0x3FA6] =	sst s9;
	s0 =	simm.s32 @!p0 $0x0  }
0x12: {  	s1 =	sld [smem:$0x3F8C];
	s0 =	simm.s32 @p0 $0x1  }
0x13: {  	[smem:$0x3FA7] =	sst s0;
	s0 =	simm.s32 @!p1 $0x0  }
0x14: {  	s2 =	sld [smem:$0x3F8B];
	s0 =	simm.s32 @p1 $0x1  }
0x15: {  	[smem:$0x3FA8] =	sst s0;
	s0 =	simm.s32 @!p2 $0x0  }
0x16: {  	s3 =	sld [smem:$0x3FDB];
	s0 =	simm.s32 @p2 $0x1  }
0x17: {  	s4 =	simm.s32 $0x1BF5;
	[smem:$0x3FAA] =	sst s0  }
0x18: {  	s0 =	sld [smem:$0x3F8D];
	_ =	swait.ge [sflag:s4], $0x0  }
0x19: {  	s7 =	sld [smem:$0x3F8E]  }
0x1a: {  	s8 =	sadd.s32 $0xFFFFE003, lr  }
0x1b: {  	s9 =	sadd.s32 $0xFFFFFEF7, lr;
	s5 =	simm.s32 $0xFFFFFFFF;
	p2 =	slt.u32 s8, $0xFFFFF086  }
0x1c: {  	p1 =	slt.u32 s9, $0xF7A;
	s5 =	simm.s32 @!p2 $0x0  }
0x1d: {  	s5 =	simm.s32 @p1 $0x1;
	p0 =	seq.s32 s7, s2  }
0x1e: {  	s7 =	smul.u32 @!p0 $0xF7A, s2;
	p2 =	seq.s32 @!p0 s5, $0x0  }
0x1f: {  	s9 =	smul.u32 $0xF7A, s1;
	s8 =	simm.s32 @!p0 $0x1BF5;
	p2 =	por !p2, p0  }
0x20: {  	[sflag:s8] =	ssyncset.s32 @!p0 $0xFFFFF086;
	s6 =	sadd.s32 @!p0 s3, s7;
	s7 =	simm.s32 @!p0 $0x108  }
0x21: {  	s3 =	sadd.s32 s3, s9;
	s6 =	sadd.s32 @!p0 $0x88, s6;
	s7 =	simm.s32 @p2 $0x1082  }
0x22: {  	[simem:s7], [sflag:s8] =	dma.local @!p0 [hbm:s6], $0xF7A  }
0x23: {  	s9 =	sor.u32 $0xD0000000, s2;
	s6 =	simm.s32 $0x108;
	_ =	swait.ge @!p0 [sflag:s8], $0x0  }
0x24: {  	s3 =	sadd.s32 $0x88, s3;
	s6 =	simm.s32 @!p1 $0x1082;
	[sflag:s4] =	ssyncset.s32 $0xFFFFF086  }
0x25: {  	[simem:s6], [sflag:s4] =	dma.local [hbm:s3], $0xF7A  }
0x26: {  	[smem:$0x3F8E] =	sst s1;
	(tag) =	ssettag s2;
	_ =	strace s9  }
0x27: {  	s1 =	sld [smem:$0x3F9E]  }
0x28: {  	s2 =	sld [smem:$0x3F9F]  }
0x29: {  	s4 =	sld [smem:$0x3FA1]  }
0x2a: {  	p0 =	seq.s32 s5, $0x0;
	s5 =	sld [smem:$0x3FA2]  }
0x2b: {  	s6 =	sld [smem:$0x3FA3]  }
0x2c: {  	s7 =	sld [smem:$0x3FA4]  }
0x2d: {  	s3 =	simm.s32 $0x108;
	s8 =	sld [smem:$0x3FA5]  }
0x2e: {  	s3 =	simm.s32 @!p0 $0x1082;
	s9 =	sld [smem:$0x3FA6]  }
0x2f: {  	lr =	sadd.s32 s0, s3;
	s0 =	sld [smem:$0x3F9D]  }
0x30: {  	s3 =	sld [smem:$0x3FA0]  }
0x31: {  	[smem:$0x3FA9] =	sst s10  }
0x32: {  	s10 =	sld [smem:$0x3FA7];
	_ =	sdelay $0x3  }
0x33: {  	p0 =	seq.s32 s10, $0x1;
	s10 =	sld [smem:$0x3FA9];
	_ =	sdelay $0x3  }
0x34: {  	[smem:$0x3FA9] =	sst s10  }
0x35: {  	s10 =	sld [smem:$0x3FA8];
	_ =	sdelay $0x3  }
0x36: {  	p1 =	seq.s32 s10, $0x1;
	s10 =	sld [smem:$0x3FA9];
	_ =	sdelay $0x3  }
0x37: {  	[smem:$0x3FA9] =	sst s10  }
0x38: {  	s10 =	sld [smem:$0x3FAA]  }
0x39: {  	_ = 	snop;
	(pc) =	sbr.ind lr, $3  }
0x3a: {  	_ = 	snop  }
0x3b: {  	_ = 	snop  }
0x3c: {  	p2 =	seq.s32 s10, $0x1;
	s10 =	sld [smem:$0x3FA9]  }
0x3d: {  	_ =	shalt  }
0x3e: {  	_ =	shalt  }
0x3f: {  	_ =	shalt  }
0x40: {  	_ =	shalt  }
0x41: {  	_ =	shalt  }
0x42: {  	_ =	shalt  }
0x43: {  	_ =	shalt  }
0x44: {  	_ =	shalt  }
0x45: {  	_ =	shalt  }
0x46: {  	_ =	shalt  }
0x47: {  	_ =	shalt  }
0x48: {  	_ =	shalt  }
0x49: {  	_ =	shalt  }
0x4a: {  	_ =	shalt  }
0x4b: {  	_ =	shalt  }
0x4c: {  	_ =	shalt  }
0x4d: {  	_ =	shalt  }
0x4e: {  	_ =	shalt  }
0x4f: {  	_ =	shalt  }
0x50: {  	_ =	shalt  }
0x51: {  	_ =	shalt  }
0x52: {  	_ =	shalt  }
0x53: {  	_ =	shalt  }
0x54: {  	_ =	shalt  }
0x55: {  	_ =	shalt  }
0x56: {  	_ =	shalt  }
0x57: {  	_ =	shalt  }
0x58: {  	_ =	shalt  }
0x59: {  	_ =	shalt  }
0x5a: {  	_ =	shalt  }
0x5b: {  	_ =	shalt  }
0x5c: {  	_ =	shalt  }
0x5d: {  	_ =	shalt  }
0x5e: {  	_ =	shalt  }
0x5f: {  	_ =	shalt  }
0x60: {  	_ =	shalt  }
0x61: {  	_ =	shalt  }
0x62: {  	_ =	shalt  }
0x63: {  	_ =	shalt  }
0x64: {  	_ =	shalt  }
0x65: {  	_ =	shalt  }
0x66: {  	_ =	shalt  }
0x67: {  	_ =	shalt  }
0x68: {  	_ =	shalt  }
0x69: {  	_ =	shalt  }
0x6a: {  	_ =	shalt  }
0x6b: {  	_ =	shalt  }
0x6c: {  	_ =	shalt  }
0x6d: {  	_ =	shalt  }
0x6e: {  	_ =	shalt  }
0x6f: {  	_ =	shalt  }
0x70: {  	_ =	shalt  }
0x71: {  	_ =	shalt  }
0x72: {  	_ =	shalt  }
0x73: {  	_ =	shalt  }
0x74: {  	_ =	shalt  }
0x75: {  	_ =	shalt  }
0x76: {  	_ =	shalt  }
0x77: {  	_ =	shalt  }
0x78: {  	_ =	shalt  }
0x79: {  	_ =	shalt  }
0x7a: {  	_ =	shalt  }
0x7b: {  	_ =	shalt  }
0x7c: {  	_ =	shalt  }
0x7d: {  	_ =	shalt  }
0x7e: {  	_ =	shalt  }
0x7f: {  	_ =	shalt  }
0x80: {  	_ =	shalt  }
0x81: {  	_ =	shalt  }
0x82: {  	_ =	shalt  }
0x83: {  	_ =	shalt  }
0x84: {  	_ =	shalt  }
0x85: {  	_ =	shalt  }
0x86: {  	_ =	shalt  }
0x87: {  	_ =	shalt  }
.Lfunc_end0:
.L_simem_size_0:
called_computation.3_lowered:
.L_overlay_start_0:
0x88: {  	s2 =	sld [smem:$0x3FD9]  }
0x89: {  	s3 =	sld [smem:$0x3FFE];
	_ =	sdelay $0x1  }
0x8a: {  	s1 =	srdreg.scid  }
0x8b: {  	s0 =	sand.u32 $0x1, s1  }
0x8c: {  	s16 =	sshll.u32 s0, $0xA;
	s2 =	sadd.s32 s3, s2  }
0x8d: {  	s2 =	sadd.s32 s2, s16  }
0x8e: {  	[smem:$0x3FB5] =	sst s2  }
0x8f: {  	_ = 	snop  }
0x90: {  	(tm) =	ssettm $0x1  }
0x91: {  	s17 =	sld [smem:$0x3FFB];
	_ =	sdelay $0x3  }
0x92: {  	_ =	strace s17  }
0x93: {  	s2 =	sld [smem:$0x3FFC];
	_ =	sdelay $0x3  }
0x94: {  	_ =	strace s2  }
0x95: {  	s2 =	sld [smem:$0x3FFD];
	_ =	sdelay $0x3  }
0x96: {  	_ =	strace s2  }
0x97: {  	_ =	strace $0x8FFFFFFF  }
0x98: {  	s18 =	sld [smem:$0x3FDB];
	_ =	sdelay $0x1  }
0x99: {  	s19 =	simm.s32 $_scs_section_size  }
0x9a: {  	s4 =	simm.s32 $_size__tile_overlayer_lowered;
	s5 =	simm.s32 $_tile_overlayer_lowered  }
0x9b: {  	s22 =	simm.s32 $0x1BFF;
	s21 =	sshll.u32 s5, $0x1;
	s2 =	sadd.s32 s19, s18  }
0x9c: {  	s6 =	simm.s32 $0x0;
	s20 =	sshll.u32 s4, $0x1;
	s4 =	sadd.s32 s21, s2  }
0x9d: {  	[timem:s6], [sflag:s22] =	dma.local [hbm:s4], s20  }
0x9e: {  	_ =	swait.ge [sflag:s22], s20  }
0x9f: {  	s3 =	ssub.s32 $0x0, s20;
	[sflag:s22] =	ssyncset.done $0x0  }
0xa0: {  	[sflag:s22] =	ssyncadd.s32 s3;
	_ =	sdelay $0x1  }
0xa1: {  	s23 =	simm.s32 $0x1B8B  }
0xa2: {  	_ =	swait.ge [sflag:s23], $0x1  }
0xa3: {  	[sflag:s23] =	ssyncset.done $0x0  }
0xa4: {  	s25 =	simm.s32 $0x1B8E;
	s24 =	sld [smem:$0x3FFE];
	[sflag:s23] =	ssyncadd.s32 $0xFFFFFFFF  }
0xa5: {  	s26 =	simm.s32 $execute0_lowered;
	[smem:$0x3FD2] =	sst s25  }
0xa6: {  	s4 =	sshll.u32 s26, $0x1;
	_ =	strace $0x8000004F;
	[dreg:$0x1] =	wrdreg $0xFFFFFFFF  }
0xa7: {  	s28 =	simm.s32 $_size_execute0_lowered;
	s2 =	sadd.s32 s2, s4;
	[dreg:$0x0] =	wrdreg $0x0  }
0xa8: {  	s4 =	sshll.u32 s28, $0x1;
	[dreg:$0x2] =	wrdreg s2  }
0xa9: {  	[dreg:$0x3] =	wrdreg s4  }
0xaa: {  	[dreg:$0x4] =	wrdreg $0xC0  }
0xab: {  	_ =	task [dreg:s6], $0x5FFFF  }
0xac: {  	[dreg:$0x1] =	wrdreg $0xFFFFFFFF  }
0xad: {  	[dreg:$0x0] =	wrdreg $0x60  }
0xae: {  	[dreg:$0x2] =	wrdreg s24  }
0xaf: {  	[dreg:$0x3] =	wrdreg $0x154000  }
0xb0: {  	[dreg:$0x4] =	wrdreg $0x9  }
0xb1: {  	_ =	task.clear_ibuf [dreg:s6], $0x5FFFF;
	_ =	strace $0x9000004F  }
0xb2: {  	s29 =	simm.s32 $0x9;
	_ =	strace $0x80000051  }
0xb3: {  	_ =	swait.ge [sflag:s29], $0x1  }
0xb4: {  	[sflag:s29] =	ssyncadd.s32 $0xFFFFFFFF  }
0xb5: {  	_ =	strace $0x90000051  }
0xb6: {  	_ =	sfence  }
0xb7: {  	s30 =	sld [smem:$0x0];
	_ =	sdelay $0x2  }
0xb8: {  	s31 =	sshll.u32 s1, $0xD;
	s1 =	sshrl.u32 s1, $0x2  }
0xb9: {  	s3 =	sand.u32 $0x4000, s31;
	s1 =	sadd.s32 s1, s30  }
0xba: {  	s0 =	sor.u32 s3, s0;
	s1 =	sshll.u32 s1, $0x11  }
0xbb: {  	s0 =	sor.u32 s1, s0  }
0xbc: {  	s0 =	sadd.s32 $0x8F2B, s0  }
0xbd: {  	[sflag:s0] =	ssyncadd.remote.s32 $0x1  }
0xbe: {  	_ =	sfence.sel $0xFFFF  }
0xbf: {  	[dreg:$0x0] =	wrdreg $0xFFFFFFFF;
	(pc) =	sbr.abs _section_cstart, $3  }
0xc0: {  	[dreg:$0x1] =	wrdreg $0xFFFFFFFF  }
0xc1: {  	_ =	task.clear_ibuf [dreg:s6], $0x2FFFF;
	_ =	strace $0x9FFFFFFF  }
0xc2: {  	(tm) =	ssettm $0x7FFFFFFF  }
0xc3: {  	_ =	shalt  }
tec
execute0_lowered:
.L_overlay_start_1:
0x0: {  	(tag) =	ssettag $0x1  }
0x1: {  	s1 =	srdreg.scid;
	s6 =	rddreg [dreg:$0x0]  }
0x2: {  	s0 =	stileid.u32;
	s2 =	rddreg [dreg:$0x1];
	s3 =	simm.s32 $0x0  }
0x3: {  	s13 =	simm.s32 $0x0;
	s4 =	sand.u32 $0x1, s1;
	s1 =	rddreg [dreg:$0x2]  }
0x4: {  	s26 =	sshll.u32 s0, $0x1;
	s8 =	smul.u32 $0x2800, s0;
	[smem:$0x7FF] =	sst s3  }
0x5: {  	s31 =	sshll.u32 s0, $0x6;
	s5 =	sor.u32 s4, s26;
	s9 =	smul.u32 $0x28000, s4  }
0x6: {  	_ =	strace $0x80000050;
	s29 =	ssub.s32 $0x2, s4;
	s7 =	smul.u32 $0x2800, s5  }
0x7: {  	s4 =	sadd.s32 $0x59C00, s6;
	s5 =	smul.u32 $0x280, s5;
	s30 =	sshrl.u32 s29, $0x1  }
0x8: {  	s12 =	sadd.s32 s8, s2;
	s9 =	sadd.s32 s8, s9;
	s7 =	sadd.s32 s7, s6  }
0x9: {  	s10 =	sadd.s32 s5, s6;
	s28 =	sshrl.u32 s9, $0x3;
	s9 =	ssub.s32 s29, s30  }
0xa: {  	s5 =	sor.u32 $0x1C01, s31;
	s11 =	sadd.s32 s28, s6;
	s6 =	sadd.s32 $0x5A200, s10  }
0xb: {  	s7 =	sadd.s32 $0x73200, s7;
	s9 =	smax.u32 s9, $0x1;
	s10 =	sshrl.u32 s12, $0x3  }
0xc: {  	s12 =	simm.s32 $0x80;
	s8 =	sadd.s32 $0x5F200, s11;
	s11 =	simm.s32 $0x1  }
.LBB2_1:
0xd: {  	[spmem:s10], [sflag:s5] =	dma.local [hbm:s4], $0x500  }
0xe: {  	_ =	swait.ge [sflag:s11], $0x500  }
0xf: {  	[sflag:s11] =	ssyncset.done $0x0  }
0x10: {  	[sflag:s11] =	ssyncadd.s32 $0xFFFFFB00  }
0x11: {  	[tilespmem:s3], [sflag:$0x1] =	stream.linear.gather [hbm4b:s6+s3], $0x1400, $0x38;
	[tilespmem:$0x17C00] =	vst v63  }
0x12: {  	_ =	swait.ge [sflag:s11], $0x1400  }
0x13: {  	[sflag:s11] =	ssyncset.done $0x0  }
0x14: {  	s14 =	simm.s32 $0x1400;
	[sflag:s11] =	ssyncadd.s32 $0xFFFFEC00  }
0x15: {  	[tilespmem:s14], [sflag:$0x1] =	stream.linear.gather [hbm4b:s7+s3], $0x14000, $0x38;
	[tilespmem:$0x17C00] =	vst v63  }
0x16: {  	_ =	swait.ge [sflag:s11], $0x14000  }
0x17: {  	[sflag:s11] =	ssyncset.done $0x0  }
0x18: {  	[sflag:s11] =	ssyncadd.s32 $0xFFFEC000  }
0x19: {  	s15 =	simm.s32 $0x0;
	[bflag:$0x0] =	sbarrier.arrive $0xFFFF  }
0x1a: {  	[spmem:s2] =	stream.indirect.scatter.add.f32 [tilespmem:s14], [sflag:$0x1], $0x10, s15, s12, $0xb8;
	[tilespmem:$0x17C00] =	vst v63  }
0x1b: {  	_ =	swait.ge [sflag:s11], $0x800  }
0x1c: {  	s15 =	simm.s32 $0x200;
	[sflag:s11] =	ssyncset.done $0x0  }
.LBB2_2:
0x1d: {  	s16 =	sshra.s32 s15, $0x2  }
0x1e: {  	[sflag:s11] =	ssyncadd.s32 $0xFFFFF800;
	s14 =	sadd.s32 $0x800, s14;
	p0 =	sne.s32 s15, $0x4E00  }
0x1f: {  	[spmem:s2] =	stream.indirect.scatter.add.f32 [tilespmem:s14], [sflag:$0x1], $0x10, s16, s12, $0xb8;
	[tilespmem:$0x17C00] =	vst v63  }
.Ltmp0:
0x20: {  	_ = 	snop;
	(pc) =	sbr.rel @p0 .LBB2_2-.Ltmp0, $4  }
0x21: {  	_ = 	snop  }
0x22: {  	s15 =	sadd.s32 $0x200, s15  }
0x23: {  	_ =	swait.ge [sflag:s11], $0x800  }
0x24: {  	[sflag:s11] =	ssyncset.done $0x0  }
0x25: {  	s13 =	sadd.s32 $0x1, s13  }
0x26: {  	[sflag:s11] =	ssyncadd.s32 $0xFFFFF800;
	p0 =	sne.s32 s13, s9  }
.Ltmp1:
0x27: {  	[bflag:$0x0] =	sbarrier.arrive $0xFFFF;
	(pc) =	sbr.rel @p0 .LBB2_1-.Ltmp1, $4  }
0x28: {  	[hbm:s8], [sflag:s5] =	dma.local [spmem:s10], $0x500  }
0x29: {  	_ =	swait.ge [sflag:s11], $0x500  }
0x2a: {  	[sflag:s11] =	ssyncset.done $0x0  }
0x2b: {  	[sflag:s11] =	ssyncadd.s32 $0xFFFFFB00  }
0x2c: {  	_ =	sfence.sel $0x180000  }
0x2d: {  	[bflag:$0x0] =	sbarrier.arrive $0xFFFF  }
0x2e: {  	p0 =	sne.s32 s0, $0x0;
	_ =	strace $0x90000050  }
0x2f: {  	s0 =	sadd.s32 @!p0 $0x100000, s1;
	[bflag:$0x2] =	sbarrier.arrive $0xFFFF  }
0x30: {  	[sflag:s0] =	ssyncadd.tile.s32 @!p0 $0x1;
	_ =	shalt  }
.Lfunc_end2:
_tile_overlayer_lowered:
.L_overlay_start_2:
0x31: {  	(tag) =	ssettag $0x2  }
0x32: {  	s0 =	rddreg [dreg:$0x0];
	s2 =	stileid.u32  }
0x33: {  	s1 =	rddreg [dreg:$0x1];
	p0 =	sne.s32 s2, $0x0  }
0x34: {  	s3 =	rddreg [dreg:$0x2];
	[bflag:$0x3] =	sbarrier.arrive $0xFFFF;
	s2 =	simm.s32 @!p0 $0x1C01  }
0x35: {  	[timem:s3], [sflag:s2] =	dma.local @!p0 [hbm:s0], s1  }
0x36: {  	s0 =	simm.s32 @!p0 $0x1  }
0x37: {  	_ =	swait.ge @!p0 [sflag:s0], s1  }
0x38: {  	s1 =	ssub.s32 @!p0 $0x0, s1;
	[sflag:s0] =	ssyncset.done @!p0 $0x0  }
0x39: {  	[sflag:s0] =	ssyncadd.s32 @!p0 s1  }
0x3a: {  	[bflag:$0x3] =	sbarrier.arrive $0xFFFF  }
0x3b: {  	_ =	shalt  }

// kernel: kernel.26.cloned.1.call-start
scs
__scs_entry_jumppad:
0x0: {  	(pc) =	sbr.rel $0x88, $3  }
0x1: {  	(tag) =	ssettag $0x0;
	lr =	simm.s32 $0x1  }
0x2: {  	[smem:$0x3F8E] =	sst lr;
	_ =	strace $0xD0000000  }
0x3: {  	_ = 	snop  }
0x4: {  	_ = 	snop  }
0x5: {  	_ = 	snop  }
0x6: {  	_ = 	snop  }
0x7: {  	_ = 	snop  }
__scs_overlays_trampoline_lowered:
0x8: {  	[smem:$0x3F9D] =	sst s0  }
0x9: {  	[smem:$0x3F9E] =	sst s1  }
0xa: {  	[smem:$0x3F9F] =	sst s2  }
0xb: {  	[smem:$0x3FA0] =	sst s3  }
0xc: {  	[smem:$0x3FA1] =	sst s4  }
0xd: {  	[smem:$0x3FA2] =	sst s5  }
0xe: {  	[smem:$0x3FA3] =	sst s6  }
0xf: {  	[smem:$0x3FA4] =	sst s7  }
0x10: {  	[smem:$0x3FA5] =	sst s8  }
0x11: {  	[smem:$0x3FA6] =	sst s9;
	s0 =	simm.s32 @!p0 $0x0  }
0x12: {  	s1 =	sld [smem:$0x3F8C];
	s0 =	simm.s32 @p0 $0x1  }
0x13: {  	[smem:$0x3FA7] =	sst s0;
	s0 =	simm.s32 @!p1 $0x0  }
0x14: {  	s2 =	sld [smem:$0x3F8B];
	s0 =	simm.s32 @p1 $0x1  }
0x15: {  	[smem:$0x3FA8] =	sst s0;
	s0 =	simm.s32 @!p2 $0x0  }
0x16: {  	s3 =	sld [smem:$0x3FDB];
	s0 =	simm.s32 @p2 $0x1  }
0x17: {  	s4 =	simm.s32 $0x1BF5;
	[smem:$0x3FAA] =	sst s0  }
0x18: {  	s0 =	sld [smem:$0x3F8D];
	_ =	swait.ge [sflag:s4], $0x0  }
0x19: {  	s7 =	sld [smem:$0x3F8E]  }
0x1a: {  	s8 =	sadd.s32 $0xFFFFE003, lr  }
0x1b: {  	s9 =	sadd.s32 $0xFFFFFEF7, lr;
	s5 =	simm.s32 $0xFFFFFFFF;
	p2 =	slt.u32 s8, $0xFFFFF086  }
0x1c: {  	p1 =	slt.u32 s9, $0xF7A;
	s5 =	simm.s32 @!p2 $0x0  }
0x1d: {  	s5 =	simm.s32 @p1 $0x1;
	p0 =	seq.s32 s7, s2  }
0x1e: {  	s7 =	smul.u32 @!p0 $0xF7A, s2;
	p2 =	seq.s32 @!p0 s5, $0x0  }
0x1f: {  	s9 =	smul.u32 $0xF7A, s1;
	s8 =	simm.s32 @!p0 $0x1BF5;
	p2 =	por !p2, p0  }
0x20: {  	[sflag:s8] =	ssyncset.s32 @!p0 $0xFFFFF086;
	s6 =	sadd.s32 @!p0 s3, s7;
	s7 =	simm.s32 @!p0 $0x108  }
0x21: {  	s3 =	sadd.s32 s3, s9;
	s6 =	sadd.s32 @!p0 $0x88, s6;
	s7 =	simm.s32 @p2 $0x1082  }
0x22: {  	[simem:s7], [sflag:s8] =	dma.local @!p0 [hbm:s6], $0xF7A  }
0x23: {  	s9 =	sor.u32 $0xD0000000, s2;
	s6 =	simm.s32 $0x108;
	_ =	swait.ge @!p0 [sflag:s8], $0x0  }
0x24: {  	s3 =	sadd.s32 $0x88, s3;
	s6 =	simm.s32 @!p1 $0x1082;
	[sflag:s4] =	ssyncset.s32 $0xFFFFF086  }
0x25: {  	[simem:s6], [sflag:s4] =	dma.local [hbm:s3], $0xF7A  }
0x26: {  	[smem:$0x3F8E] =	sst s1;
	(tag) =	ssettag s2;
	_ =	strace s9  }
0x27: {  	s1 =	sld [smem:$0x3F9E]  }
0x28: {  	s2 =	sld [smem:$0x3F9F]  }
0x29: {  	s4 =	sld [smem:$0x3FA1]  }
0x2a: {  	p0 =	seq.s32 s5, $0x0;
	s5 =	sld [smem:$0x3FA2]  }
0x2b: {  	s6 =	sld [smem:$0x3FA3]  }
0x2c: {  	s7 =	sld [smem:$0x3FA4]  }
0x2d: {  	s3 =	simm.s32 $0x108;
	s8 =	sld [smem:$0x3FA5]  }
0x2e: {  	s3 =	simm.s32 @!p0 $0x1082;
	s9 =	sld [smem:$0x3FA6]  }
0x2f: {  	lr =	sadd.s32 s0, s3;
	s0 =	sld [smem:$0x3F9D]  }
0x30: {  	s3 =	sld [smem:$0x3FA0]  }
0x31: {  	[smem:$0x3FA9] =	sst s10  }
0x32: {  	s10 =	sld [smem:$0x3FA7];
	_ =	sdelay $0x3  }
0x33: {  	p0 =	seq.s32 s10, $0x1;
	s10 =	sld [smem:$0x3FA9];
	_ =	sdelay $0x3  }
0x34: {  	[smem:$0x3FA9] =	sst s10  }
0x35: {  	s10 =	sld [smem:$0x3FA8];
	_ =	sdelay $0x3  }
0x36: {  	p1 =	seq.s32 s10, $0x1;
	s10 =	sld [smem:$0x3FA9];
	_ =	sdelay $0x3  }
0x37: {  	[smem:$0x3FA9] =	sst s10  }
0x38: {  	s10 =	sld [smem:$0x3FAA]  }
0x39: {  	_ = 	snop;
	(pc) =	sbr.ind lr, $3  }
0x3a: {  	_ = 	snop  }
0x3b: {  	_ = 	snop  }
0x3c: {  	p2 =	seq.s32 s10, $0x1;
	s10 =	sld [smem:$0x3FA9]  }
0x3d: {  	_ =	shalt  }
0x3e: {  	_ =	shalt  }
0x3f: {  	_ =	shalt  }
0x40: {  	_ =	shalt  }
0x41: {  	_ =	shalt  }
0x42: {  	_ =	shalt  }
0x43: {  	_ =	shalt  }
0x44: {  	_ =	shalt  }
0x45: {  	_ =	shalt  }
0x46: {  	_ =	shalt  }
0x47: {  	_ =	shalt  }
0x48: {  	_ =	shalt  }
0x49: {  	_ =	shalt  }
0x4a: {  	_ =	shalt  }
0x4b: {  	_ =	shalt  }
0x4c: {  	_ =	shalt  }
0x4d: {  	_ =	shalt  }
0x4e: {  	_ =	shalt  }
0x4f: {  	_ =	shalt  }
0x50: {  	_ =	shalt  }
0x51: {  	_ =	shalt  }
0x52: {  	_ =	shalt  }
0x53: {  	_ =	shalt  }
0x54: {  	_ =	shalt  }
0x55: {  	_ =	shalt  }
0x56: {  	_ =	shalt  }
0x57: {  	_ =	shalt  }
0x58: {  	_ =	shalt  }
0x59: {  	_ =	shalt  }
0x5a: {  	_ =	shalt  }
0x5b: {  	_ =	shalt  }
0x5c: {  	_ =	shalt  }
0x5d: {  	_ =	shalt  }
0x5e: {  	_ =	shalt  }
0x5f: {  	_ =	shalt  }
0x60: {  	_ =	shalt  }
0x61: {  	_ =	shalt  }
0x62: {  	_ =	shalt  }
0x63: {  	_ =	shalt  }
0x64: {  	_ =	shalt  }
0x65: {  	_ =	shalt  }
0x66: {  	_ =	shalt  }
0x67: {  	_ =	shalt  }
0x68: {  	_ =	shalt  }
0x69: {  	_ =	shalt  }
0x6a: {  	_ =	shalt  }
0x6b: {  	_ =	shalt  }
0x6c: {  	_ =	shalt  }
0x6d: {  	_ =	shalt  }
0x6e: {  	_ =	shalt  }
0x6f: {  	_ =	shalt  }
0x70: {  	_ =	shalt  }
0x71: {  	_ =	shalt  }
0x72: {  	_ =	shalt  }
0x73: {  	_ =	shalt  }
0x74: {  	_ =	shalt  }
0x75: {  	_ =	shalt  }
0x76: {  	_ =	shalt  }
0x77: {  	_ =	shalt  }
0x78: {  	_ =	shalt  }
0x79: {  	_ =	shalt  }
0x7a: {  	_ =	shalt  }
0x7b: {  	_ =	shalt  }
0x7c: {  	_ =	shalt  }
0x7d: {  	_ =	shalt  }
0x7e: {  	_ =	shalt  }
0x7f: {  	_ =	shalt  }
0x80: {  	_ =	shalt  }
0x81: {  	_ =	shalt  }
0x82: {  	_ =	shalt  }
0x83: {  	_ =	shalt  }
0x84: {  	_ =	shalt  }
0x85: {  	_ =	shalt  }
0x86: {  	_ =	shalt  }
0x87: {  	_ =	shalt  }
.Lfunc_end0:
.L_simem_size_0:
called_computation.4_lowered:
.L_overlay_start_0:
0x88: {  	s2 =	sld [smem:$0x3FD9]  }
0x89: {  	s3 =	sld [smem:$0x3FFE];
	_ =	sdelay $0x1  }
0x8a: {  	s1 =	srdreg.scid  }
0x8b: {  	s0 =	sand.u32 $0x1, s1  }
0x8c: {  	s16 =	sshll.u32 s0, $0xA;
	s2 =	sadd.s32 s3, s2  }
0x8d: {  	s2 =	sadd.s32 s2, s16  }
0x8e: {  	[smem:$0x3FB5] =	sst s2  }
0x8f: {  	_ = 	snop  }
0x90: {  	(tm) =	ssettm $0x1  }
0x91: {  	s17 =	sld [smem:$0x3FFB];
	_ =	sdelay $0x3  }
0x92: {  	_ =	strace s17  }
0x93: {  	s2 =	sld [smem:$0x3FFC];
	_ =	sdelay $0x3  }
0x94: {  	_ =	strace s2  }
0x95: {  	s2 =	sld [smem:$0x3FFD];
	_ =	sdelay $0x3  }
0x96: {  	_ =	strace s2  }
0x97: {  	_ =	strace $0x8FFFFFFF  }
0x98: {  	s18 =	sld [smem:$0x3FDB];
	_ =	sdelay $0x1  }
0x99: {  	s19 =	simm.s32 $_scs_section_size  }
0x9a: {  	s4 =	simm.s32 $_size__tile_overlayer_lowered;
	s5 =	simm.s32 $_tile_overlayer_lowered  }
0x9b: {  	s22 =	simm.s32 $0x1BFF;
	s21 =	sshll.u32 s5, $0x1;
	s2 =	sadd.s32 s19, s18  }
0x9c: {  	s6 =	simm.s32 $0x0;
	s20 =	sshll.u32 s4, $0x1;
	s4 =	sadd.s32 s21, s2  }
0x9d: {  	[timem:s6], [sflag:s22] =	dma.local [hbm:s4], s20  }
0x9e: {  	_ =	swait.ge [sflag:s22], s20  }
0x9f: {  	s3 =	ssub.s32 $0x0, s20;
	[sflag:s22] =	ssyncset.done $0x0  }
0xa0: {  	[sflag:s22] =	ssyncadd.s32 s3;
	_ =	sdelay $0x1  }
0xa1: {  	s23 =	simm.s32 $0x1B8B  }
0xa2: {  	_ =	swait.ge [sflag:s23], $0x1  }
0xa3: {  	[sflag:s23] =	ssyncset.done $0x0  }
0xa4: {  	s25 =	simm.s32 $0x1B8E;
	s24 =	sld [smem:$0x3FFE];
	[sflag:s23] =	ssyncadd.s32 $0xFFFFFFFF  }
0xa5: {  	s26 =	simm.s32 $execute0_lowered;
	[smem:$0x3FD2] =	sst s25  }
0xa6: {  	s4 =	sshll.u32 s26, $0x1;
	_ =	strace $0x80000052;
	[dreg:$0x1] =	wrdreg $0xFFFFFFFF  }
0xa7: {  	s28 =	simm.s32 $_size_execute0_lowered;
	s2 =	sadd.s32 s2, s4;
	[dreg:$0x0] =	wrdreg $0x0  }
0xa8: {  	s4 =	sshll.u32 s28, $0x1;
	[dreg:$0x2] =	wrdreg s2  }
0xa9: {  	[dreg:$0x3] =	wrdreg s4  }
0xaa: {  	[dreg:$0x4] =	wrdreg $0xC0  }
0xab: {  	_ =	task [dreg:s6], $0x5FFFF  }
0xac: {  	[dreg:$0x1] =	wrdreg $0xFFFFFFFF  }
0xad: {  	[dreg:$0x0] =	wrdreg $0x60  }
0xae: {  	[dreg:$0x2] =	wrdreg s24  }
0xaf: {  	[dreg:$0x3] =	wrdreg $0x9  }
0xb0: {  	_ =	task.clear_ibuf [dreg:s6], $0x4FFFF;
	_ =	strace $0x90000052  }
0xb1: {  	s29 =	simm.s32 $0x9;
	_ =	strace $0x80000054  }
0xb2: {  	_ =	swait.ge [sflag:s29], $0x1  }
0xb3: {  	[sflag:s29] =	ssyncadd.s32 $0xFFFFFFFF  }
0xb4: {  	_ =	strace $0x90000054  }
0xb5: {  	_ =	sfence  }
0xb6: {  	s30 =	sld [smem:$0x0];
	_ =	sdelay $0x2  }
0xb7: {  	s31 =	sshll.u32 s1, $0xD;
	s1 =	sshrl.u32 s1, $0x2  }
0xb8: {  	s3 =	sand.u32 $0x4000, s31;
	s1 =	sadd.s32 s1, s30  }
0xb9: {  	s0 =	sor.u32 s3, s0;
	s1 =	sshll.u32 s1, $0x11  }
0xba: {  	s0 =	sor.u32 s1, s0  }
0xbb: {  	s0 =	sadd.s32 $0x8F2B, s0  }
0xbc: {  	[sflag:s0] =	ssyncadd.remote.s32 $0x1  }
0xbd: {  	_ =	sfence.sel $0xFFFF  }
0xbe: {  	[dreg:$0x0] =	wrdreg $0xFFFFFFFF;
	(pc) =	sbr.abs _section_cstart, $3  }
0xbf: {  	[dreg:$0x1] =	wrdreg $0xFFFFFFFF  }
0xc0: {  	_ =	task.clear_ibuf [dreg:s6], $0x2FFFF;
	_ =	strace $0x9FFFFFFF  }
0xc1: {  	(tm) =	ssettm $0x7FFFFFFF  }
tec
execute0_lowered:
.L_overlay_start_1:
0x0: {  	(tag) =	ssettag $0x1  }
0x1: {  	s1 =	srdreg.scid  }
0x2: {  	s0 =	stileid.u32;
	s4 =	rddreg [dreg:$0x0];
	s2 =	simm.s32 $0x0  }
0x3: {  	s11 =	simm.s32 $0x0;
	s5 =	sand.u32 $0x1, s1;
	s1 =	rddreg [dreg:$0x1]  }
0x4: {  	s3 =	sshll.u32 s0, $0x1;
	[smem:$0x7FF] =	sst s2;
	s7 =	smul.u32 $0x5000, s0  }
0x5: {  	s3 =	sor.u32 s5, s3;
	_ =	strace $0x80000053;
	s10 =	smul.u32 $0x2800, s5  }
0x6: {  	s8 =	ssub.s32 $0x2, s5;
	s6 =	smul.u32 $0x280, s3;
	s3 =	sadd.s32 $0x54C00, s4  }
0x7: {  	s9 =	sshrl.u32 s8, $0x1;
	s30 =	sadd.s32 s7, s4;
	s7 =	simm.s32 $0x2  }
0x8: {  	s31 =	ssub.s32 s8, s9;
	s8 =	simm.s32 $0x80;
	s9 =	simm.s32 $0x1400  }
0x9: {  	s29 =	sadd.s32 s6, s4;
	s5 =	smax.u32 s31, $0x1;
	s6 =	sadd.s32 s10, s30  }
0xa: {  	s10 =	simm.s32 $0x1;
	s4 =	sadd.s32 $0x6E200, s29;
	s6 =	sadd.s32 $0x73200, s6  }
.LBB2_1:
0xb: {  	[tilespmem:s2], [sflag:$0x2] =	stream.linear.gather [hbm4b:s4+s2], $0x1400, $0x38;
	[tilespmem:$0x1C00] =	vst v63  }
0xc: {  	_ =	swait.ge [sflag:s7], $0x1400  }
0xd: {  	[sflag:s7] =	ssyncset.done $0x0  }
0xe: {  	[sflag:s7] =	ssyncadd.s32 $0xFFFFEC00  }
0xf: {  	[tilespmem:s9], [sflag:$0x1] =	stream.indirect.gather [hbm4b:s3+s8], $0x10, s2, s8, $0xb8;
	[tilespmem:$0x1C00] =	vst v63  }
0x10: {  	_ =	swait.ge [sflag:s10], $0x800  }
0x11: {  	[sflag:s10] =	ssyncset.done $0x0  }
0x12: {  	s12 =	sadd.s32 $0x0, s6;
	[sflag:s10] =	ssyncadd.s32 $0xFFFFF800  }
0x13: {  	[hbm4b:s12+s2] =	stream.linear.scatter [tilespmem:s9], [sflag:$0x2], $0x800, $0x38;
	[tilespmem:$0x1C00] =	vst v63  }
0x14: {  	_ =	swait.ge [sflag:s7], $0x800  }
0x15: {  	s13 =	simm.s32 $0x0;
	s12 =	simm.s32 $0x100;
	[sflag:s7] =	ssyncset.done $0x0  }
.LBB2_2:
0x16: {  	p0 =	sne.s32 s12, $0x2700;
	[sflag:s7] =	ssyncadd.s32 $0xFFFFF800;
	s13 =	sadd.s32 $0x80, s13  }
0x17: {  	[tilespmem:s9], [sflag:$0x1] =	stream.indirect.gather [hbm4b:s3+s8], $0x10, s13, s8, $0xb8;
	[tilespmem:$0x1C00] =	vst v63  }
0x18: {  	s14 =	smov.u32 s12;
	s12 =	sadd.s32 $0x100, s12;
	_ =	swait.ge [sflag:s10], $0x800  }
.Ltmp0:
0x19: {  	[sflag:s10] =	ssyncset.done $0x0;
	(pc) =	sbr.rel @p0 .LBB2_2-.Ltmp0, $4  }
0x1a: {  	s14 =	sadd.s32 s14, s6;
	[sflag:s10] =	ssyncadd.s32 $0xFFFFF800  }
0x1b: {  	[hbm4b:s14+s2] =	stream.linear.scatter [tilespmem:s9], [sflag:$0x2], $0x800, $0x38;
	[tilespmem:$0x1C00] =	vst v63  }
0x1c: {  	_ =	swait.ge [sflag:s7], $0x800  }
0x1d: {  	[sflag:s7] =	ssyncset.done $0x0  }
0x1e: {  	s11 =	sadd.s32 $0x1, s11  }
0x1f: {  	p0 =	sne.s32 s11, s5  }
.Ltmp1:
0x20: {  	_ = 	snop;
	(pc) =	sbr.rel @p0 .LBB2_1-.Ltmp1, $2  }
0x21: {  	_ =	sdelay $0x2  }
0x22: {  	[sflag:s7] =	ssyncadd.s32 $0xFFFFF800  }
0x23: {  	_ =	sfence.sel $0x180000  }
0x24: {  	[bflag:$0x0] =	sbarrier.arrive $0xFFFF  }
0x25: {  	p0 =	sne.s32 s0, $0x0;
	_ =	strace $0x90000053  }
0x26: {  	s0 =	sadd.s32 @!p0 $0x100000, s1;
	[bflag:$0x2] =	sbarrier.arrive $0xFFFF  }
0x27: {  	[sflag:s0] =	ssyncadd.tile.s32 @!p0 $0x1;
	_ =	shalt  }
.Lfunc_end2:
_tile_overlayer_lowered:
.L_overlay_start_2:
0x28: {  	(tag) =	ssettag $0x2  }
0x29: {  	s0 =	rddreg [dreg:$0x0];
	s2 =	stileid.u32  }
0x2a: {  	s1 =	rddreg [dreg:$0x1];
	p0 =	sne.s32 s2, $0x0  }
0x2b: {  	s3 =	rddreg [dreg:$0x2];
	[bflag:$0x3] =	sbarrier.arrive $0xFFFF;
	s2 =	simm.s32 @!p0 $0x1C02  }
0x2c: {  	[timem:s3], [sflag:s2] =	dma.local @!p0 [hbm:s0], s1  }
0x2d: {  	s0 =	simm.s32 @!p0 $0x2  }
0x2e: {  	_ =	swait.ge @!p0 [sflag:s0], s1  }
0x2f: {  	s1 =	ssub.s32 @!p0 $0x0, s1;
	[sflag:s0] =	ssyncset.done @!p0 $0x0  }
0x30: {  	[sflag:s0] =	ssyncadd.s32 @!p0 s1  }
0x31: {  	[bflag:$0x3] =	sbarrier.arrive $0xFFFF  }
0x32: {  	_ =	shalt  }

// kernel: kernel.29.cloned.1.call-start
scs
__scs_entry_jumppad:
0x0: {  	(pc) =	sbr.rel $0x88, $3  }
0x1: {  	(tag) =	ssettag $0x0;
	lr =	simm.s32 $0x1  }
0x2: {  	[smem:$0x3F8E] =	sst lr;
	_ =	strace $0xD0000000  }
0x3: {  	_ = 	snop  }
0x4: {  	_ = 	snop  }
0x5: {  	_ = 	snop  }
0x6: {  	_ = 	snop  }
0x7: {  	_ = 	snop  }
__scs_overlays_trampoline_lowered:
0x8: {  	[smem:$0x3F9D] =	sst s0  }
0x9: {  	[smem:$0x3F9E] =	sst s1  }
0xa: {  	[smem:$0x3F9F] =	sst s2  }
0xb: {  	[smem:$0x3FA0] =	sst s3  }
0xc: {  	[smem:$0x3FA1] =	sst s4  }
0xd: {  	[smem:$0x3FA2] =	sst s5  }
0xe: {  	[smem:$0x3FA3] =	sst s6  }
0xf: {  	[smem:$0x3FA4] =	sst s7  }
0x10: {  	[smem:$0x3FA5] =	sst s8  }
0x11: {  	[smem:$0x3FA6] =	sst s9;
	s0 =	simm.s32 @!p0 $0x0  }
0x12: {  	s1 =	sld [smem:$0x3F8C];
	s0 =	simm.s32 @p0 $0x1  }
0x13: {  	[smem:$0x3FA7] =	sst s0;
	s0 =	simm.s32 @!p1 $0x0  }
0x14: {  	s2 =	sld [smem:$0x3F8B];
	s0 =	simm.s32 @p1 $0x1  }
0x15: {  	[smem:$0x3FA8] =	sst s0;
	s0 =	simm.s32 @!p2 $0x0  }
0x16: {  	s3 =	sld [smem:$0x3FDB];
	s0 =	simm.s32 @p2 $0x1  }
0x17: {  	s4 =	simm.s32 $0x1BF5;
	[smem:$0x3FAA] =	sst s0  }
0x18: {  	s0 =	sld [smem:$0x3F8D];
	_ =	swait.ge [sflag:s4], $0x0  }
0x19: {  	s7 =	sld [smem:$0x3F8E]  }
0x1a: {  	s8 =	sadd.s32 $0xFFFFE003, lr  }
0x1b: {  	s9 =	sadd.s32 $0xFFFFFEF7, lr;
	s5 =	simm.s32 $0xFFFFFFFF;
	p2 =	slt.u32 s8, $0xFFFFF086  }
0x1c: {  	p1 =	slt.u32 s9, $0xF7A;
	s5 =	simm.s32 @!p2 $0x0  }
0x1d: {  	s5 =	simm.s32 @p1 $0x1;
	p0 =	seq.s32 s7, s2  }
0x1e: {  	s7 =	smul.u32 @!p0 $0xF7A, s2;
	p2 =	seq.s32 @!p0 s5, $0x0  }
0x1f: {  	s9 =	smul.u32 $0xF7A, s1;
	s8 =	simm.s32 @!p0 $0x1BF5;
	p2 =	por !p2, p0  }
0x20: {  	[sflag:s8] =	ssyncset.s32 @!p0 $0xFFFFF086;
	s6 =	sadd.s32 @!p0 s3, s7;
	s7 =	simm.s32 @!p0 $0x108  }
0x21: {  	s3 =	sadd.s32 s3, s9;
	s6 =	sadd.s32 @!p0 $0x88, s6;
	s7 =	simm.s32 @p2 $0x1082  }
0x22: {  	[simem:s7], [sflag:s8] =	dma.local @!p0 [hbm:s6], $0xF7A  }
0x23: {  	s9 =	sor.u32 $0xD0000000, s2;
	s6 =	simm.s32 $0x108;
	_ =	swait.ge @!p0 [sflag:s8], $0x0  }
0x24: {  	s3 =	sadd.s32 $0x88, s3;
	s6 =	simm.s32 @!p1 $0x1082;
	[sflag:s4] =	ssyncset.s32 $0xFFFFF086  }
0x25: {  	[simem:s6], [sflag:s4] =	dma.local [hbm:s3], $0xF7A  }
0x26: {  	[smem:$0x3F8E] =	sst s1;
	(tag) =	ssettag s2;
	_ =	strace s9  }
0x27: {  	s1 =	sld [smem:$0x3F9E]  }
0x28: {  	s2 =	sld [smem:$0x3F9F]  }
0x29: {  	s4 =	sld [smem:$0x3FA1]  }
0x2a: {  	p0 =	seq.s32 s5, $0x0;
	s5 =	sld [smem:$0x3FA2]  }
0x2b: {  	s6 =	sld [smem:$0x3FA3]  }
0x2c: {  	s7 =	sld [smem:$0x3FA4]  }
0x2d: {  	s3 =	simm.s32 $0x108;
	s8 =	sld [smem:$0x3FA5]  }
0x2e: {  	s3 =	simm.s32 @!p0 $0x1082;
	s9 =	sld [smem:$0x3FA6]  }
0x2f: {  	lr =	sadd.s32 s0, s3;
	s0 =	sld [smem:$0x3F9D]  }
0x30: {  	s3 =	sld [smem:$0x3FA0]  }
0x31: {  	[smem:$0x3FA9] =	sst s10  }
0x32: {  	s10 =	sld [smem:$0x3FA7];
	_ =	sdelay $0x3  }
0x33: {  	p0 =	seq.s32 s10, $0x1;
	s10 =	sld [smem:$0x3FA9];
	_ =	sdelay $0x3  }
0x34: {  	[smem:$0x3FA9] =	sst s10  }
0x35: {  	s10 =	sld [smem:$0x3FA8];
	_ =	sdelay $0x3  }
0x36: {  	p1 =	seq.s32 s10, $0x1;
	s10 =	sld [smem:$0x3FA9];
	_ =	sdelay $0x3  }
0x37: {  	[smem:$0x3FA9] =	sst s10  }
0x38: {  	s10 =	sld [smem:$0x3FAA]  }
0x39: {  	_ = 	snop;
	(pc) =	sbr.ind lr, $3  }
0x3a: {  	_ = 	snop  }
0x3b: {  	_ = 	snop  }
0x3c: {  	p2 =	seq.s32 s10, $0x1;
	s10 =	sld [smem:$0x3FA9]  }
0x3d: {  	_ =	shalt  }
0x3e: {  	_ =	shalt  }
0x3f: {  	_ =	shalt  }
0x40: {  	_ =	shalt  }
0x41: {  	_ =	shalt  }
0x42: {  	_ =	shalt  }
0x43: {  	_ =	shalt  }
0x44: {  	_ =	shalt  }
0x45: {  	_ =	shalt  }
0x46: {  	_ =	shalt  }
0x47: {  	_ =	shalt  }
0x48: {  	_ =	shalt  }
0x49: {  	_ =	shalt  }
0x4a: {  	_ =	shalt  }
0x4b: {  	_ =	shalt  }
0x4c: {  	_ =	shalt  }
0x4d: {  	_ =	shalt  }
0x4e: {  	_ =	shalt  }
0x4f: {  	_ =	shalt  }
0x50: {  	_ =	shalt  }
0x51: {  	_ =	shalt  }
0x52: {  	_ =	shalt  }
0x53: {  	_ =	shalt  }
0x54: {  	_ =	shalt  }
0x55: {  	_ =	shalt  }
0x56: {  	_ =	shalt  }
0x57: {  	_ =	shalt  }
0x58: {  	_ =	shalt  }
0x59: {  	_ =	shalt  }
0x5a: {  	_ =	shalt  }
0x5b: {  	_ =	shalt  }
0x5c: {  	_ =	shalt  }
0x5d: {  	_ =	shalt  }
0x5e: {  	_ =	shalt  }
0x5f: {  	_ =	shalt  }
0x60: {  	_ =	shalt  }
0x61: {  	_ =	shalt  }
0x62: {  	_ =	shalt  }
0x63: {  	_ =	shalt  }
0x64: {  	_ =	shalt  }
0x65: {  	_ =	shalt  }
0x66: {  	_ =	shalt  }
0x67: {  	_ =	shalt  }
0x68: {  	_ =	shalt  }
0x69: {  	_ =	shalt  }
0x6a: {  	_ =	shalt  }
0x6b: {  	_ =	shalt  }
0x6c: {  	_ =	shalt  }
0x6d: {  	_ =	shalt  }
0x6e: {  	_ =	shalt  }
0x6f: {  	_ =	shalt  }
0x70: {  	_ =	shalt  }
0x71: {  	_ =	shalt  }
0x72: {  	_ =	shalt  }
0x73: {  	_ =	shalt  }
0x74: {  	_ =	shalt  }
0x75: {  	_ =	shalt  }
0x76: {  	_ =	shalt  }
0x77: {  	_ =	shalt  }
0x78: {  	_ =	shalt  }
0x79: {  	_ =	shalt  }
0x7a: {  	_ =	shalt  }
0x7b: {  	_ =	shalt  }
0x7c: {  	_ =	shalt  }
0x7d: {  	_ =	shalt  }
0x7e: {  	_ =	shalt  }
0x7f: {  	_ =	shalt  }
0x80: {  	_ =	shalt  }
0x81: {  	_ =	shalt  }
0x82: {  	_ =	shalt  }
0x83: {  	_ =	shalt  }
0x84: {  	_ =	shalt  }
0x85: {  	_ =	shalt  }
0x86: {  	_ =	shalt  }
0x87: {  	_ =	shalt  }
.Lfunc_end0:
.L_simem_size_0:
called_computation.5_lowered:
.L_overlay_start_0:
0x88: {  	s2 =	sld [smem:$0x3FD9]  }
0x89: {  	s3 =	sld [smem:$0x3FFE];
	_ =	sdelay $0x1  }
0x8a: {  	s1 =	srdreg.scid  }
0x8b: {  	s0 =	sand.u32 $0x1, s1  }
0x8c: {  	s16 =	sshll.u32 s0, $0xA;
	s2 =	sadd.s32 s3, s2  }
0x8d: {  	s2 =	sadd.s32 s2, s16  }
0x8e: {  	[smem:$0x3FB5] =	sst s2  }
0x8f: {  	_ = 	snop  }
0x90: {  	(tm) =	ssettm $0x1  }
0x91: {  	s17 =	sld [smem:$0x3FFB];
	_ =	sdelay $0x3  }
0x92: {  	_ =	strace s17  }
0x93: {  	s2 =	sld [smem:$0x3FFC];
	_ =	sdelay $0x3  }
0x94: {  	_ =	strace s2  }
0x95: {  	s2 =	sld [smem:$0x3FFD];
	_ =	sdelay $0x3  }
0x96: {  	_ =	strace s2  }
0x97: {  	_ =	strace $0x8FFFFFFF  }
0x98: {  	s18 =	sld [smem:$0x3FDB];
	_ =	sdelay $0x1  }
0x99: {  	s19 =	simm.s32 $_scs_section_size  }
0x9a: {  	s4 =	simm.s32 $_size__tile_overlayer_lowered;
	s5 =	simm.s32 $_tile_overlayer_lowered  }
0x9b: {  	s22 =	simm.s32 $0x1BFF;
	s21 =	sshll.u32 s5, $0x1;
	s2 =	sadd.s32 s19, s18  }
0x9c: {  	s6 =	simm.s32 $0x0;
	s20 =	sshll.u32 s4, $0x1;
	s4 =	sadd.s32 s21, s2  }
0x9d: {  	[timem:s6], [sflag:s22] =	dma.local [hbm:s4], s20  }
0x9e: {  	_ =	swait.ge [sflag:s22], s20  }
0x9f: {  	s3 =	ssub.s32 $0x0, s20;
	[sflag:s22] =	ssyncset.done $0x0  }
0xa0: {  	[sflag:s22] =	ssyncadd.s32 s3;
	_ =	sdelay $0x1  }
0xa1: {  	s23 =	simm.s32 $0x1B8B  }
0xa2: {  	_ =	swait.ge [sflag:s23], $0x1  }
0xa3: {  	[sflag:s23] =	ssyncset.done $0x0  }
0xa4: {  	s25 =	simm.s32 $0x1B8E;
	s24 =	sld [smem:$0x3FFE];
	[sflag:s23] =	ssyncadd.s32 $0xFFFFFFFF  }
0xa5: {  	s26 =	simm.s32 $execute0_lowered;
	[smem:$0x3FD2] =	sst s25  }
0xa6: {  	s4 =	sshll.u32 s26, $0x1;
	_ =	strace $0x80000055;
	[dreg:$0x1] =	wrdreg $0xFFFFFFFF  }
0xa7: {  	s28 =	simm.s32 $_size_execute0_lowered;
	s2 =	sadd.s32 s2, s4;
	[dreg:$0x0] =	wrdreg $0x0  }
0xa8: {  	s4 =	sshll.u32 s28, $0x1;
	[dreg:$0x2] =	wrdreg s2  }
0xa9: {  	[dreg:$0x3] =	wrdreg s4  }
0xaa: {  	[dreg:$0x4] =	wrdreg $0xC0  }
0xab: {  	_ =	task [dreg:s6], $0x5FFFF  }
0xac: {  	[dreg:$0x1] =	wrdreg $0xFFFFFFFF  }
0xad: {  	[dreg:$0x0] =	wrdreg $0x60  }
0xae: {  	[dreg:$0x2] =	wrdreg s24  }
0xaf: {  	[dreg:$0x3] =	wrdreg $0x154000  }
0xb0: {  	[dreg:$0x4] =	wrdreg $0x9  }
0xb1: {  	_ =	task.clear_ibuf [dreg:s6], $0x5FFFF;
	_ =	strace $0x90000055  }
0xb2: {  	s29 =	simm.s32 $0x9;
	_ =	strace $0x80000057  }
0xb3: {  	_ =	swait.ge [sflag:s29], $0x1  }
0xb4: {  	[sflag:s29] =	ssyncadd.s32 $0xFFFFFFFF  }
0xb5: {  	_ =	strace $0x90000057  }
0xb6: {  	_ =	sfence  }
0xb7: {  	s30 =	sld [smem:$0x0];
	_ =	sdelay $0x2  }
0xb8: {  	s31 =	sshll.u32 s1, $0xD;
	s1 =	sshrl.u32 s1, $0x2  }
0xb9: {  	s3 =	sand.u32 $0x4000, s31;
	s1 =	sadd.s32 s1, s30  }
0xba: {  	s0 =	sor.u32 s3, s0;
	s1 =	sshll.u32 s1, $0x11  }
0xbb: {  	s0 =	sor.u32 s1, s0  }
0xbc: {  	s0 =	sadd.s32 $0x8F2B, s0  }
0xbd: {  	[sflag:s0] =	ssyncadd.remote.s32 $0x1  }
0xbe: {  	_ =	sfence.sel $0xFFFF  }
0xbf: {  	[dreg:$0x0] =	wrdreg $0xFFFFFFFF;
	(pc) =	sbr.abs _section_cstart, $3  }
0xc0: {  	[dreg:$0x1] =	wrdreg $0xFFFFFFFF  }
0xc1: {  	_ =	task.clear_ibuf [dreg:s6], $0x2FFFF;
	_ =	strace $0x9FFFFFFF  }
0xc2: {  	(tm) =	ssettm $0x7FFFFFFF  }
0xc3: {  	_ =	shalt  }
tec
execute0_lowered:
.L_overlay_start_1:
0x0: {  	(tag) =	ssettag $0x1  }
0x1: {  	s1 =	srdreg.scid;
	s6 =	rddreg [dreg:$0x0]  }
0x2: {  	s0 =	stileid.u32;
	s2 =	rddreg [dreg:$0x1];
	s3 =	simm.s32 $0x0  }
0x3: {  	s13 =	simm.s32 $0x0;
	s4 =	sand.u32 $0x1, s1;
	s1 =	rddreg [dreg:$0x2]  }
0x4: {  	s26 =	sshll.u32 s0, $0x1;
	s8 =	smul.u32 $0x2800, s0;
	[smem:$0x7FF] =	sst s3  }
0x5: {  	s31 =	sshll.u32 s0, $0x6;
	s5 =	sor.u32 s4, s26;
	s9 =	smul.u32 $0x28000, s4  }
0x6: {  	_ =	strace $0x80000056;
	s29 =	ssub.s32 $0x2, s4;
	s7 =	smul.u32 $0x2800, s5  }
0x7: {  	s4 =	sadd.s32 $0x59C00, s6;
	s5 =	smul.u32 $0x280, s5;
	s30 =	sshrl.u32 s29, $0x1  }
0x8: {  	s12 =	sadd.s32 s8, s2;
	s9 =	sadd.s32 s8, s9;
	s7 =	sadd.s32 s7, s6  }
0x9: {  	s10 =	sadd.s32 s5, s6;
	s28 =	sshrl.u32 s9, $0x3;
	s9 =	ssub.s32 s29, s30  }
0xa: {  	s5 =	sor.u32 $0x1C01, s31;
	s11 =	sadd.s32 s28, s6;
	s6 =	sadd.s32 $0x5A200, s10  }
0xb: {  	s7 =	sadd.s32 $0x5F200, s7;
	s9 =	smax.u32 s9, $0x1;
	s10 =	sshrl.u32 s12, $0x3  }
0xc: {  	s12 =	simm.s32 $0x80;
	s8 =	sadd.s32 $0xAF200, s11;
	s11 =	simm.s32 $0x1  }
.LBB2_1:
0xd: {  	[spmem:s10], [sflag:s5] =	dma.local [hbm:s4], $0x500  }
0xe: {  	_ =	swait.ge [sflag:s11], $0x500  }
0xf: {  	[sflag:s11] =	ssyncset.done $0x0  }
0x10: {  	[sflag:s11] =	ssyncadd.s32 $0xFFFFFB00  }
0x11: {  	[tilespmem:s3], [sflag:$0x1] =	stream.linear.gather [hbm4b:s6+s3], $0x1400, $0x38;
	[tilespmem:$0x17C00] =	vst v63  }
0x12: {  	_ =	swait.ge [sflag:s11], $0x1400  }
0x13: {  	[sflag:s11] =	ssyncset.done $0x0  }
0x14: {  	s14 =	simm.s32 $0x1400;
	[sflag:s11] =	ssyncadd.s32 $0xFFFFEC00  }
0x15: {  	[tilespmem:s14], [sflag:$0x1] =	stream.linear.gather [hbm4b:s7+s3], $0x14000, $0x38;
	[tilespmem:$0x17C00] =	vst v63  }
0x16: {  	_ =	swait.ge [sflag:s11], $0x14000  }
0x17: {  	[sflag:s11] =	ssyncset.done $0x0  }
0x18: {  	[sflag:s11] =	ssyncadd.s32 $0xFFFEC000  }
0x19: {  	s15 =	simm.s32 $0x0;
	[bflag:$0x0] =	sbarrier.arrive $0xFFFF  }
0x1a: {  	[spmem:s2] =	stream.indirect.scatter.add.f32 [tilespmem:s14], [sflag:$0x1], $0x10, s15, s12, $0xb8;
	[tilespmem:$0x17C00] =	vst v63  }
0x1b: {  	_ =	swait.ge [sflag:s11], $0x800  }
0x1c: {  	s15 =	simm.s32 $0x200;
	[sflag:s11] =	ssyncset.done $0x0  }
.LBB2_2:
0x1d: {  	s16 =	sshra.s32 s15, $0x2  }
0x1e: {  	[sflag:s11] =	ssyncadd.s32 $0xFFFFF800;
	s14 =	sadd.s32 $0x800, s14;
	p0 =	sne.s32 s15, $0x4E00  }
0x1f: {  	[spmem:s2] =	stream.indirect.scatter.add.f32 [tilespmem:s14], [sflag:$0x1], $0x10, s16, s12, $0xb8;
	[tilespmem:$0x17C00] =	vst v63  }
.Ltmp0:
0x20: {  	_ = 	snop;
	(pc) =	sbr.rel @p0 .LBB2_2-.Ltmp0, $4  }
0x21: {  	_ = 	snop  }
0x22: {  	s15 =	sadd.s32 $0x200, s15  }
0x23: {  	_ =	swait.ge [sflag:s11], $0x800  }
0x24: {  	[sflag:s11] =	ssyncset.done $0x0  }
0x25: {  	s13 =	sadd.s32 $0x1, s13  }
0x26: {  	[sflag:s11] =	ssyncadd.s32 $0xFFFFF800;
	p0 =	sne.s32 s13, s9  }
.Ltmp1:
0x27: {  	[bflag:$0x0] =	sbarrier.arrive $0xFFFF;
	(pc) =	sbr.rel @p0 .LBB2_1-.Ltmp1, $4  }
0x28: {  	[hbm:s8], [sflag:s5] =	dma.local [spmem:s10], $0x500  }
0x29: {  	_ =	swait.ge [sflag:s11], $0x500  }
0x2a: {  	[sflag:s11] =	ssyncset.done $0x0  }
0x2b: {  	[sflag:s11] =	ssyncadd.s32 $0xFFFFFB00  }
0x2c: {  	_ =	sfence.sel $0x180000  }
0x2d: {  	[bflag:$0x0] =	sbarrier.arrive $0xFFFF  }
0x2e: {  	p0 =	sne.s32 s0, $0x0;
	_ =	strace $0x90000056  }
0x2f: {  	s0 =	sadd.s32 @!p0 $0x100000, s1;
	[bflag:$0x2] =	sbarrier.arrive $0xFFFF  }
0x30: {  	[sflag:s0] =	ssyncadd.tile.s32 @!p0 $0x1;
	_ =	shalt  }
.Lfunc_end2:
_tile_overlayer_lowered:
.L_overlay_start_2:
0x31: {  	(tag) =	ssettag $0x2  }
0x32: {  	s0 =	rddreg [dreg:$0x0];
	s2 =	stileid.u32  }
0x33: {  	s1 =	rddreg [dreg:$0x1];
	p0 =	sne.s32 s2, $0x0  }
0x34: {  	s3 =	rddreg [dreg:$0x2];
	[bflag:$0x3] =	sbarrier.arrive $0xFFFF;
	s2 =	simm.s32 @!p0 $0x1C01  }
0x35: {  	[timem:s3], [sflag:s2] =	dma.local @!p0 [hbm:s0], s1  }
0x36: {  	s0 =	simm.s32 @!p0 $0x1  }
0x37: {  	_ =	swait.ge @!p0 [sflag:s0], s1  }
0x38: {  	s1 =	ssub.s32 @!p0 $0x0, s1;
	[sflag:s0] =	ssyncset.done @!p0 $0x0  }
0x39: {  	[sflag:s0] =	ssyncadd.s32 @!p0 s1  }
0x3a: {  	[bflag:$0x3] =	sbarrier.arrive $0xFFFF  }
0x3b: {  	_ =	shalt  }

</sc_bundles>
